<compile_context>
chip_gen: v7x
topology: tpu7x:2x2x1
jax: 0.10.2.dev20260603
libtpu: 0.0.44.dev20260713+nightly
codegen_flags: <defaults>
</compile_context>

<pallas_src>
import functools

import jax
import jax.numpy as jnp
from jax import lax
from jax.experimental import pallas as pl
from jax.experimental.pallas import tpu as pltpu
from jax.experimental.pallas import tpu_sc as plsc

_B = 64
_S = 64
_H = 2048
_NC = 2
_NS = 16
_NW = _NC * _NS
_BPW = _B // _NW
_RPW = (_B * _S) // _NW
_CHUNK = 16
_NT = _RPW // _CHUNK


def _norm_body(prev_ref, w1_ref, new_ref, norms_ref, old0_ref,
               l2_ref, idx_ref, mix_ref, dst_ref):
    pred = jnp.tanh(
        lax.dot_general(
            prev_ref[...], w1_ref[...], (((1,), (0,)), ((), ())),
            preferred_element_type=jnp.float32,
            precision=lax.Precision.DEFAULT,
        )
    )
    diff = pred - new_ref[...]
    l2 = jnp.sqrt(jnp.sum(diff * diff, axis=1, keepdims=True))
    n0 = norms_ref[:, 0:1]
    rep = l2 > n0
    v = jnp.where(rep, l2, n0)
    k = jnp.sum((norms_ref[:, 1:] < v).astype(jnp.int32), axis=1, keepdims=True)
    l2_ref[...] = l2
    j = lax.broadcasted_iota(jnp.int32, (_B, _S), 1)
    brow = lax.broadcasted_iota(jnp.int32, (_B, _S), 0) * _S
    src = brow + j + (j < k).astype(jnp.int32)
    idx_ref[...] = jnp.where(j == k, brow, src)
    mix_ref[...] = jnp.where(rep, new_ref[...], old0_ref[...])
    dst_ref[...] = (brow[:, 0:1] + k).reshape(_NW, _BPW)


_NBUF = 3


def _sc_reorder_body(states_ref, idx_ref, mix_ref, dst_ref, out_ref,
                     idx0, idx1, idx2, buf0, buf1, buf2, mixbuf, didx,
                     g0, g1, g2, s0, s1, s2):
    wid = lax.axis_index("s") * _NC + lax.axis_index("c")
    idxs = (idx0, idx1, idx2)
    bufs = (buf0, buf1, buf2)
    gsems = (g0, g1, g2)
    ssems = (s0, s1, s2)
    gh = [None] * _NBUF
    sh = [None] * _NBUF

    pltpu.sync_copy(mix_ref.at[pl.ds(wid * _BPW, _BPW)], mixbuf)
    pltpu.sync_copy(dst_ref.at[wid], didx)

    def start_gather(t):
        base = wid * _RPW + t * _CHUNK
        pltpu.sync_copy(idx_ref.at[pl.ds(base, _CHUNK)], idxs[t % _NBUF])
        gh[t % _NBUF] = pltpu.async_copy(
            states_ref.at[idxs[t % _NBUF]], bufs[t % _NBUF], gsems[t % _NBUF])

    def start_scatter(t):
        base = wid * _RPW + t * _CHUNK
        gh[t % _NBUF].wait()
        sh[t % _NBUF] = pltpu.async_copy(
            bufs[t % _NBUF], out_ref.at[pl.ds(base, _CHUNK)], ssems[t % _NBUF])

    for t in range(_NT):
        if t >= _NBUF:
            sh[t % _NBUF].wait()
        start_gather(t)
        if t >= 1:
            start_scatter(t - 1)
    start_scatter(_NT - 1)
    for t in range(_NT - _NBUF + 1, _NT + 1):
        sh[t % _NBUF].wait()

    pltpu.sync_copy(mixbuf, out_ref.at[didx])


@functools.cache
def _sc_reorder():
    return pl.kernel(
        _sc_reorder_body,
        out_type=jax.ShapeDtypeStruct((_B * _S, _H), jnp.float32),
        mesh=plsc.VectorSubcoreMesh(
            core_axis_name="c", subcore_axis_name="s",
            num_cores=_NC, num_subcores=_NS),
        scratch_types=[
            pltpu.VMEM((_CHUNK,), jnp.int32),
            pltpu.VMEM((_CHUNK,), jnp.int32),
            pltpu.VMEM((_CHUNK,), jnp.int32),
            pltpu.VMEM((_CHUNK, _H), jnp.float32),
            pltpu.VMEM((_CHUNK, _H), jnp.float32),
            pltpu.VMEM((_CHUNK, _H), jnp.float32),
            pltpu.VMEM((_BPW, _H), jnp.float32),
            pltpu.VMEM((_BPW,), jnp.int32),
            pltpu.SemaphoreType.DMA,
            pltpu.SemaphoreType.DMA,
            pltpu.SemaphoreType.DMA,
            pltpu.SemaphoreType.DMA,
            pltpu.SemaphoreType.DMA,
            pltpu.SemaphoreType.DMA,
        ],
    )


def kernel(old_states, new_state, prev_state, old_norms, w1):
    l2, idx, mix, dst = pl.pallas_call(
        _norm_body,
        out_shape=[
            jax.ShapeDtypeStruct((_B, 1), jnp.float32),
            jax.ShapeDtypeStruct((_B, _S), jnp.int32),
            jax.ShapeDtypeStruct((_B, _H), jnp.float32),
            jax.ShapeDtypeStruct((_NW, _BPW), jnp.int32),
        ],
    )(prev_state, w1, new_state, old_norms, old_states[:, 0, :])

    out_flat = _sc_reorder()(
        old_states.reshape(_B * _S, _H), idx.reshape(_B * _S), mix, dst)
    return out_flat.reshape(_B, _S, _H), l2

# --- scband reference (transcript-rebuilt; emitter-appended) ---
"""Pipeline reference for scband-state-selector-90907277787365 (READ-ONLY COPY).

The authoritative reference and input builder live on the scoring server;
editing this copy changes nothing except your own understanding.
"""

import jax, jax.numpy as jnp
import numpy as np

B = 64
NUM_STATES = 64
HIDDEN = 2048


def setup_inputs(seed: int = 0) -> dict:
    key = jax.random.key(seed)
    k1, k2, k3, k4, k5 = jax.random.split(key, 5)
    old_states = jax.random.normal(k1, (B, NUM_STATES, HIDDEN), dtype=jnp.float32)
    new_state = jax.random.normal(k2, (B, HIDDEN), dtype=jnp.float32)
    prev_state = jax.random.normal(k3, (B, HIDDEN), dtype=jnp.float32)
    # internal module state: per-row sorted (ascending) prediction-error norms, kept full (== num_states)
    old_norms = jnp.sort(jax.random.uniform(k4, (B, NUM_STATES), dtype=jnp.float32) * 100.0, axis=1)
    # learned parameter w1 (hidden_size x hidden_size); w2 is unused in forward
    w1 = jax.random.normal(k5, (HIDDEN, HIDDEN), dtype=jnp.float32)
    return {
        "old_states": old_states,
        "new_state": new_state,
        "prev_state": prev_state,
        "old_norms": old_norms,
        "w1": w1,
    }


def reference(old_states, new_state, prev_state, old_norms, w1):
    # steady-state branch: old_norms is full (size == num_states)
    pred_state = jnp.tanh(jax.lax.stop_gradient(prev_state) @ w1)  # prev_state.detach()
    diff = pred_state - jax.lax.stop_gradient(new_state)           # new_state.detach()
    l2_norm = jnp.sqrt(jnp.sum(diff * diff, axis=1)).reshape(-1, 1)
    replace_mask = (l2_norm.reshape(-1) > old_norms[:, 0]).astype(jnp.float32)
    new_l2_norm = replace_mask * l2_norm.reshape(-1) + (1.0 - replace_mask) * old_norms[:, 0]
    norms = jnp.concatenate([new_l2_norm[:, None], old_norms[:, 1:]], axis=1)
    idx = jnp.argsort(norms, axis=1)
    new_state_mix = replace_mask[:, None] * new_state + (1.0 - replace_mask[:, None]) * old_states[:, 0, :]
    stacked = jnp.concatenate([new_state_mix[:, None, :], old_states[:, 1:, :]], axis=1)
    b, s, h = stacked.shape
    flat_idx = (s * jnp.arange(b)[:, None] + idx).reshape(-1)
    gathered = jnp.take(stacked.reshape(-1, h), flat_idx, axis=0).reshape(b, s, h)
    return gathered, l2_norm

if __name__ == "__main__":
    import jax
    _d = setup_inputs()
    print(jax.jit(kernel)(*tuple(_d.values())))

</pallas_src>

<mosaic_0001>
#map = affine_map<(d0, d1) -> (0, 0)>
#map1 = affine_map<(d0, d1) -> (0)>
module attributes {stable_mosaic.version = 14 : i64} {
  func.func @_sc_reorder_body(%arg0: i32, %arg1: i32, %arg2: memref<4096x2048xf32, #tpu.memory_space<hbm>>, %arg3: memref<4096xi32, #tpu.memory_space<hbm>>, %arg4: memref<64x2048xf32, #tpu.memory_space<hbm>>, %arg5: memref<32x2xi32, #tpu.memory_space<hbm>>, %arg6: memref<4096x2048xf32, #tpu.memory_space<hbm>>, %arg7: memref<16xi32, #tpu.memory_space<vmem>>, %arg8: memref<16xi32, #tpu.memory_space<vmem>>, %arg9: memref<16xi32, #tpu.memory_space<vmem>>, %arg10: memref<16x2048xf32, #tpu.memory_space<vmem>>, %arg11: memref<16x2048xf32, #tpu.memory_space<vmem>>, %arg12: memref<16x2048xf32, #tpu.memory_space<vmem>>, %arg13: memref<2x2048xf32, #tpu.memory_space<vmem>>, %arg14: memref<2xi32, #tpu.memory_space<vmem>>, %arg15: memref<!tpu.dma_semaphore, #tpu.memory_space<semaphore_mem>>, %arg16: memref<!tpu.dma_semaphore, #tpu.memory_space<semaphore_mem>>, %arg17: memref<!tpu.dma_semaphore, #tpu.memory_space<semaphore_mem>>, %arg18: memref<!tpu.dma_semaphore, #tpu.memory_space<semaphore_mem>>, %arg19: memref<!tpu.dma_semaphore, #tpu.memory_space<semaphore_mem>>, %arg20: memref<!tpu.dma_semaphore, #tpu.memory_space<semaphore_mem>>) attributes {dimension_semantics = [#tpu.dimension_semantics<core_parallel>, #tpu.dimension_semantics<subcore_parallel>], iteration_bounds = array<i64: 2, 16>, scalar_prefetch = 0 : i64, scratch_operands = 14 : i64, tpu.core_type = #tpu.core_type<sc_vector_subcore>, window_params = [{transform_indices = #map}, {transform_indices = #map1}, {transform_indices = #map}, {transform_indices = #map}, {transform_indices = #map}]} {
    %mul3A = arith.constant 2 : i32
    %mul3A_0 = arith.muli %arg1, %mul3A : i32
    %add3A = arith.addi %mul3A_0, %arg0 : i32
    %mul3A_1 = arith.constant 2 : i32
    %mul3A_2 = arith.muli %add3A, %mul3A_1 : i32
    "tpu.region"() ({
      %run_scoped3A = tpu.sem_alloc : memref<!tpu.dma_semaphore, #tpu.memory_space<semaphore_mem>>
      %dma_start3A_177 = arith.constant 0 : i32
      %dma_start3A_178 = tpu.memref_slice %arg4[%mul3A_2, %dma_start3A_177] : memref<64x2048xf32, #tpu.memory_space<hbm>> -> memref<2x2048xf32, #tpu.memory_space<hbm>>
      %dma_start3A_179 = arith.constant 0 : i32
      %dma_start3A_180 = tpu.memref_slice %arg4[%mul3A_2, %dma_start3A_179] : memref<64x2048xf32, #tpu.memory_space<hbm>> -> memref<2x2048xf32, #tpu.memory_space<hbm>>
      tpu.enqueue_dma source(%dma_start3A_180 : memref<2x2048xf32, #tpu.memory_space<hbm>>) target(%arg13 : memref<2x2048xf32, #tpu.memory_space<vmem>>) target_semaphore(%run_scoped3A : memref<!tpu.dma_semaphore, #tpu.memory_space<semaphore_mem>>)
      %dma_wait3A_181 = arith.constant 0 : i32
      %dma_wait3A_182 = tpu.memref_slice %arg4[%mul3A_2, %dma_wait3A_181] : memref<64x2048xf32, #tpu.memory_space<hbm>> -> memref<2x2048xf32, #tpu.memory_space<hbm>>
      %dma_wait3A_183 = arith.constant 0 : i32
      %dma_wait3A_184 = tpu.memref_slice %arg4[%mul3A_2, %dma_wait3A_183] : memref<64x2048xf32, #tpu.memory_space<hbm>> -> memref<2x2048xf32, #tpu.memory_space<hbm>>
      tpu.wait_dma2 semaphore(%run_scoped3A : memref<!tpu.dma_semaphore, #tpu.memory_space<semaphore_mem>>) src(%dma_wait3A_184 : memref<2x2048xf32, #tpu.memory_space<hbm>>) dst(%arg13 : memref<2x2048xf32, #tpu.memory_space<vmem>>)
      tpu.yield
    }) : () -> ()
    "tpu.region"() ({
      %run_scoped3A = tpu.sem_alloc : memref<!tpu.dma_semaphore, #tpu.memory_space<semaphore_mem>>
      %dma_start3A_177 = arith.constant 0 : i32
      %dma_start3A_178 = tpu.memref_slice %arg5[%add3A, %dma_start3A_177] : memref<32x2xi32, #tpu.memory_space<hbm>> -> memref<1x2xi32, #tpu.memory_space<hbm>>
      %dma_start3A_179 = tpu.memref_squeeze %dma_start3A_178 : memref<1x2xi32, #tpu.memory_space<hbm>> -> memref<2xi32, #tpu.memory_space<hbm>>
      %dma_start3A_180 = arith.constant 0 : i32
      %dma_start3A_181 = tpu.memref_slice %arg5[%add3A, %dma_start3A_180] : memref<32x2xi32, #tpu.memory_space<hbm>> -> memref<1x2xi32, #tpu.memory_space<hbm>>
      %dma_start3A_182 = tpu.memref_squeeze %dma_start3A_181 : memref<1x2xi32, #tpu.memory_space<hbm>> -> memref<2xi32, #tpu.memory_space<hbm>>
      tpu.enqueue_dma source(%dma_start3A_182 : memref<2xi32, #tpu.memory_space<hbm>>) target(%arg14 : memref<2xi32, #tpu.memory_space<vmem>>) target_semaphore(%run_scoped3A : memref<!tpu.dma_semaphore, #tpu.memory_space<semaphore_mem>>)
      %dma_wait3A_183 = arith.constant 0 : i32
      %dma_wait3A_184 = tpu.memref_slice %arg5[%add3A, %dma_wait3A_183] : memref<32x2xi32, #tpu.memory_space<hbm>> -> memref<1x2xi32, #tpu.memory_space<hbm>>
      %dma_wait3A_185 = tpu.memref_squeeze %dma_wait3A_184 : memref<1x2xi32, #tpu.memory_space<hbm>> -> memref<2xi32, #tpu.memory_space<hbm>>
      %dma_wait3A_186 = arith.constant 0 : i32
      %dma_wait3A_187 = tpu.memref_slice %arg5[%add3A, %dma_wait3A_186] : memref<32x2xi32, #tpu.memory_space<hbm>> -> memref<1x2xi32, #tpu.memory_space<hbm>>
      %dma_wait3A_188 = tpu.memref_squeeze %dma_wait3A_187 : memref<1x2xi32, #tpu.memory_space<hbm>> -> memref<2xi32, #tpu.memory_space<hbm>>
      tpu.wait_dma2 semaphore(%run_scoped3A : memref<!tpu.dma_semaphore, #tpu.memory_space<semaphore_mem>>) src(%dma_wait3A_188 : memref<2xi32, #tpu.memory_space<hbm>>) dst(%arg14 : memref<2xi32, #tpu.memory_space<vmem>>)
      tpu.yield
    }) : () -> ()
    %mul3A_3 = arith.constant 128 : i32
    %mul3A_4 = arith.muli %add3A, %mul3A_3 : i32
    %add3A_5 = arith.constant 0 : i32
    %add3A_6 = arith.addi %mul3A_4, %add3A_5 : i32
    "tpu.region"() ({
      %run_scoped3A = tpu.sem_alloc : memref<!tpu.dma_semaphore, #tpu.memory_space<semaphore_mem>>
      %dma_start3A_177 = tpu.memref_slice %arg3[%add3A_6] : memref<4096xi32, #tpu.memory_space<hbm>> -> memref<16xi32, #tpu.memory_space<hbm>>
      %dma_start3A_178 = tpu.memref_slice %arg3[%add3A_6] : memref<4096xi32, #tpu.memory_space<hbm>> -> memref<16xi32, #tpu.memory_space<hbm>>
      tpu.enqueue_dma source(%dma_start3A_178 : memref<16xi32, #tpu.memory_space<hbm>>) target(%arg7 : memref<16xi32, #tpu.memory_space<vmem>>) target_semaphore(%run_scoped3A : memref<!tpu.dma_semaphore, #tpu.memory_space<semaphore_mem>>)
      %dma_wait3A_179 = tpu.memref_slice %arg3[%add3A_6] : memref<4096xi32, #tpu.memory_space<hbm>> -> memref<16xi32, #tpu.memory_space<hbm>>
      %dma_wait3A_180 = tpu.memref_slice %arg3[%add3A_6] : memref<4096xi32, #tpu.memory_space<hbm>> -> memref<16xi32, #tpu.memory_space<hbm>>
      tpu.wait_dma2 semaphore(%run_scoped3A : memref<!tpu.dma_semaphore, #tpu.memory_space<semaphore_mem>>) src(%dma_wait3A_180 : memref<16xi32, #tpu.memory_space<hbm>>) dst(%arg7 : memref<16xi32, #tpu.memory_space<vmem>>)
      tpu.yield
    }) : () -> ()
    %dma_start3A = arith.constant 0 : i32
    %dma_start3A_7 = arith.constant 0 : i32
    %dma_start3A_8 = tpu.memref_slice %arg2[%dma_start3A, %dma_start3A_7] : memref<4096x2048xf32, #tpu.memory_space<hbm>> -> memref<4096x2048xf32, #tpu.memory_space<hbm>>
    tpu.enqueue_indirect_dma source(%dma_start3A_8 : memref<4096x2048xf32, #tpu.memory_space<hbm>>) target(%arg10 : memref<16x2048xf32, #tpu.memory_space<vmem>>) offsets(%arg7 : memref<16xi32, #tpu.memory_space<vmem>>) semaphore(%arg15 : memref<!tpu.dma_semaphore, #tpu.memory_space<semaphore_mem>>)
    %mul3A_9 = arith.constant 128 : i32
    %mul3A_10 = arith.muli %add3A, %mul3A_9 : i32
    %add3A_11 = arith.constant 16 : i32
    %add3A_12 = arith.addi %mul3A_10, %add3A_11 : i32
    "tpu.region"() ({
      %run_scoped3A = tpu.sem_alloc : memref<!tpu.dma_semaphore, #tpu.memory_space<semaphore_mem>>
      %dma_start3A_177 = tpu.memref_slice %arg3[%add3A_12] : memref<4096xi32, #tpu.memory_space<hbm>> -> memref<16xi32, #tpu.memory_space<hbm>>
      %dma_start3A_178 = tpu.memref_slice %arg3[%add3A_12] : memref<4096xi32, #tpu.memory_space<hbm>> -> memref<16xi32, #tpu.memory_space<hbm>>
      tpu.enqueue_dma source(%dma_start3A_178 : memref<16xi32, #tpu.memory_space<hbm>>) target(%arg8 : memref<16xi32, #tpu.memory_space<vmem>>) target_semaphore(%run_scoped3A : memref<!tpu.dma_semaphore, #tpu.memory_space<semaphore_mem>>)
      %dma_wait3A_179 = tpu.memref_slice %arg3[%add3A_12] : memref<4096xi32, #tpu.memory_space<hbm>> -> memref<16xi32, #tpu.memory_space<hbm>>
      %dma_wait3A_180 = tpu.memref_slice %arg3[%add3A_12] : memref<4096xi32, #tpu.memory_space<hbm>> -> memref<16xi32, #tpu.memory_space<hbm>>
      tpu.wait_dma2 semaphore(%run_scoped3A : memref<!tpu.dma_semaphore, #tpu.memory_space<semaphore_mem>>) src(%dma_wait3A_180 : memref<16xi32, #tpu.memory_space<hbm>>) dst(%arg8 : memref<16xi32, #tpu.memory_space<vmem>>)
      tpu.yield
    }) : () -> ()
    %dma_start3A_13 = arith.constant 0 : i32
    %dma_start3A_14 = arith.constant 0 : i32
    %dma_start3A_15 = tpu.memref_slice %arg2[%dma_start3A_13, %dma_start3A_14] : memref<4096x2048xf32, #tpu.memory_space<hbm>> -> memref<4096x2048xf32, #tpu.memory_space<hbm>>
    tpu.enqueue_indirect_dma source(%dma_start3A_15 : memref<4096x2048xf32, #tpu.memory_space<hbm>>) target(%arg11 : memref<16x2048xf32, #tpu.memory_space<vmem>>) offsets(%arg8 : memref<16xi32, #tpu.memory_space<vmem>>) semaphore(%arg16 : memref<!tpu.dma_semaphore, #tpu.memory_space<semaphore_mem>>)
    %mul3A_16 = arith.constant 128 : i32
    %mul3A_17 = arith.muli %add3A, %mul3A_16 : i32
    %add3A_18 = arith.constant 0 : i32
    %add3A_19 = arith.addi %mul3A_17, %add3A_18 : i32
    %dma_wait3A = arith.constant 0 : i32
    %dma_wait3A_20 = arith.constant 0 : i32
    %dma_wait3A_21 = tpu.memref_slice %arg2[%dma_wait3A, %dma_wait3A_20] : memref<4096x2048xf32, #tpu.memory_space<hbm>> -> memref<4096x2048xf32, #tpu.memory_space<hbm>>
    tpu.wait_indirect_dma semaphore(%arg15 : memref<!tpu.dma_semaphore, #tpu.memory_space<semaphore_mem>>) src(%dma_wait3A_21 : memref<4096x2048xf32, #tpu.memory_space<hbm>>) dst(%arg10 : memref<16x2048xf32, #tpu.memory_space<vmem>>)
    %dma_start3A_22 = arith.constant 0 : i32
    %dma_start3A_23 = tpu.memref_slice %arg6[%add3A_19, %dma_start3A_22] : memref<4096x2048xf32, #tpu.memory_space<hbm>> -> memref<16x2048xf32, #tpu.memory_space<hbm>>
    %dma_start3A_24 = arith.constant 0 : i32
    %dma_start3A_25 = tpu.memref_slice %arg6[%add3A_19, %dma_start3A_24] : memref<4096x2048xf32, #tpu.memory_space<hbm>> -> memref<16x2048xf32, #tpu.memory_space<hbm>>
    tpu.enqueue_dma source(%arg10 : memref<16x2048xf32, #tpu.memory_space<vmem>>) target(%dma_start3A_25 : memref<16x2048xf32, #tpu.memory_space<hbm>>) target_semaphore(%arg18 : memref<!tpu.dma_semaphore, #tpu.memory_space<semaphore_mem>>)
    %mul3A_26 = arith.constant 128 : i32
    %mul3A_27 = arith.muli %add3A, %mul3A_26 : i32
    %add3A_28 = arith.constant 32 : i32
    %add3A_29 = arith.addi %mul3A_27, %add3A_28 : i32
    "tpu.region"() ({
      %run_scoped3A = tpu.sem_alloc : memref<!tpu.dma_semaphore, #tpu.memory_space<semaphore_mem>>
      %dma_start3A_177 = tpu.memref_slice %arg3[%add3A_29] : memref<4096xi32, #tpu.memory_space<hbm>> -> memref<16xi32, #tpu.memory_space<hbm>>
      %dma_start3A_178 = tpu.memref_slice %arg3[%add3A_29] : memref<4096xi32, #tpu.memory_space<hbm>> -> memref<16xi32, #tpu.memory_space<hbm>>
      tpu.enqueue_dma source(%dma_start3A_178 : memref<16xi32, #tpu.memory_space<hbm>>) target(%arg9 : memref<16xi32, #tpu.memory_space<vmem>>) target_semaphore(%run_scoped3A : memref<!tpu.dma_semaphore, #tpu.memory_space<semaphore_mem>>)
      %dma_wait3A_179 = tpu.memref_slice %arg3[%add3A_29] : memref<4096xi32, #tpu.memory_space<hbm>> -> memref<16xi32, #tpu.memory_space<hbm>>
      %dma_wait3A_180 = tpu.memref_slice %arg3[%add3A_29] : memref<4096xi32, #tpu.memory_space<hbm>> -> memref<16xi32, #tpu.memory_space<hbm>>
      tpu.wait_dma2 semaphore(%run_scoped3A : memref<!tpu.dma_semaphore, #tpu.memory_space<semaphore_mem>>) src(%dma_wait3A_180 : memref<16xi32, #tpu.memory_space<hbm>>) dst(%arg9 : memref<16xi32, #tpu.memory_space<vmem>>)
      tpu.yield
    }) : () -> ()
    %dma_start3A_30 = arith.constant 0 : i32
    %dma_start3A_31 = arith.constant 0 : i32
    %dma_start3A_32 = tpu.memref_slice %arg2[%dma_start3A_30, %dma_start3A_31] : memref<4096x2048xf32, #tpu.memory_space<hbm>> -> memref<4096x2048xf32, #tpu.memory_space<hbm>>
    tpu.enqueue_indirect_dma source(%dma_start3A_32 : memref<4096x2048xf32, #tpu.memory_space<hbm>>) target(%arg12 : memref<16x2048xf32, #tpu.memory_space<vmem>>) offsets(%arg9 : memref<16xi32, #tpu.memory_space<vmem>>) semaphore(%arg17 : memref<!tpu.dma_semaphore, #tpu.memory_space<semaphore_mem>>)
    %mul3A_33 = arith.constant 128 : i32
    %mul3A_34 = arith.muli %add3A, %mul3A_33 : i32
    %add3A_35 = arith.constant 16 : i32
    %add3A_36 = arith.addi %mul3A_34, %add3A_35 : i32
    %dma_wait3A_37 = arith.constant 0 : i32
    %dma_wait3A_38 = arith.constant 0 : i32
    %dma_wait3A_39 = tpu.memref_slice %arg2[%dma_wait3A_37, %dma_wait3A_38] : memref<4096x2048xf32, #tpu.memory_space<hbm>> -> memref<4096x2048xf32, #tpu.memory_space<hbm>>
    tpu.wait_indirect_dma semaphore(%arg16 : memref<!tpu.dma_semaphore, #tpu.memory_space<semaphore_mem>>) src(%dma_wait3A_39 : memref<4096x2048xf32, #tpu.memory_space<hbm>>) dst(%arg11 : memref<16x2048xf32, #tpu.memory_space<vmem>>)
    %dma_start3A_40 = arith.constant 0 : i32
    %dma_start3A_41 = tpu.memref_slice %arg6[%add3A_36, %dma_start3A_40] : memref<4096x2048xf32, #tpu.memory_space<hbm>> -> memref<16x2048xf32, #tpu.memory_space<hbm>>
    %dma_start3A_42 = arith.constant 0 : i32
    %dma_start3A_43 = tpu.memref_slice %arg6[%add3A_36, %dma_start3A_42] : memref<4096x2048xf32, #tpu.memory_space<hbm>> -> memref<16x2048xf32, #tpu.memory_space<hbm>>
    tpu.enqueue_dma source(%arg11 : memref<16x2048xf32, #tpu.memory_space<vmem>>) target(%dma_start3A_43 : memref<16x2048xf32, #tpu.memory_space<hbm>>) target_semaphore(%arg19 : memref<!tpu.dma_semaphore, #tpu.memory_space<semaphore_mem>>)
    %dma_wait3A_44 = arith.constant 0 : i32
    %dma_wait3A_45 = tpu.memref_slice %arg6[%add3A_19, %dma_wait3A_44] : memref<4096x2048xf32, #tpu.memory_space<hbm>> -> memref<16x2048xf32, #tpu.memory_space<hbm>>
    %dma_wait3A_46 = arith.constant 0 : i32
    %dma_wait3A_47 = tpu.memref_slice %arg6[%add3A_19, %dma_wait3A_46] : memref<4096x2048xf32, #tpu.memory_space<hbm>> -> memref<16x2048xf32, #tpu.memory_space<hbm>>
    tpu.wait_dma2 semaphore(%arg18 : memref<!tpu.dma_semaphore, #tpu.memory_space<semaphore_mem>>) src(%arg10 : memref<16x2048xf32, #tpu.memory_space<vmem>>) dst(%dma_wait3A_47 : memref<16x2048xf32, #tpu.memory_space<hbm>>)
    %mul3A_48 = arith.constant 128 : i32
    %mul3A_49 = arith.muli %add3A, %mul3A_48 : i32
    %add3A_50 = arith.constant 48 : i32
    %add3A_51 = arith.addi %mul3A_49, %add3A_50 : i32
    "tpu.region"() ({
      %run_scoped3A = tpu.sem_alloc : memref<!tpu.dma_semaphore, #tpu.memory_space<semaphore_mem>>
      %dma_start3A_177 = tpu.memref_slice %arg3[%add3A_51] : memref<4096xi32, #tpu.memory_space<hbm>> -> memref<16xi32, #tpu.memory_space<hbm>>
      %dma_start3A_178 = tpu.memref_slice %arg3[%add3A_51] : memref<4096xi32, #tpu.memory_space<hbm>> -> memref<16xi32, #tpu.memory_space<hbm>>
      tpu.enqueue_dma source(%dma_start3A_178 : memref<16xi32, #tpu.memory_space<hbm>>) target(%arg7 : memref<16xi32, #tpu.memory_space<vmem>>) target_semaphore(%run_scoped3A : memref<!tpu.dma_semaphore, #tpu.memory_space<semaphore_mem>>)
      %dma_wait3A_179 = tpu.memref_slice %arg3[%add3A_51] : memref<4096xi32, #tpu.memory_space<hbm>> -> memref<16xi32, #tpu.memory_space<hbm>>
      %dma_wait3A_180 = tpu.memref_slice %arg3[%add3A_51] : memref<4096xi32, #tpu.memory_space<hbm>> -> memref<16xi32, #tpu.memory_space<hbm>>
      tpu.wait_dma2 semaphore(%run_scoped3A : memref<!tpu.dma_semaphore, #tpu.memory_space<semaphore_mem>>) src(%dma_wait3A_180 : memref<16xi32, #tpu.memory_space<hbm>>) dst(%arg7 : memref<16xi32, #tpu.memory_space<vmem>>)
      tpu.yield
    }) : () -> ()
    %dma_start3A_52 = arith.constant 0 : i32
    %dma_start3A_53 = arith.constant 0 : i32
    %dma_start3A_54 = tpu.memref_slice %arg2[%dma_start3A_52, %dma_start3A_53] : memref<4096x2048xf32, #tpu.memory_space<hbm>> -> memref<4096x2048xf32, #tpu.memory_space<hbm>>
    tpu.enqueue_indirect_dma source(%dma_start3A_54 : memref<4096x2048xf32, #tpu.memory_space<hbm>>) target(%arg10 : memref<16x2048xf32, #tpu.memory_space<vmem>>) offsets(%arg7 : memref<16xi32, #tpu.memory_space<vmem>>) semaphore(%arg15 : memref<!tpu.dma_semaphore, #tpu.memory_space<semaphore_mem>>)
    %mul3A_55 = arith.constant 128 : i32
    %mul3A_56 = arith.muli %add3A, %mul3A_55 : i32
    %add3A_57 = arith.constant 32 : i32
    %add3A_58 = arith.addi %mul3A_56, %add3A_57 : i32
    %dma_wait3A_59 = arith.constant 0 : i32
    %dma_wait3A_60 = arith.constant 0 : i32
    %dma_wait3A_61 = tpu.memref_slice %arg2[%dma_wait3A_59, %dma_wait3A_60] : memref<4096x2048xf32, #tpu.memory_space<hbm>> -> memref<4096x2048xf32, #tpu.memory_space<hbm>>
    tpu.wait_indirect_dma semaphore(%arg17 : memref<!tpu.dma_semaphore, #tpu.memory_space<semaphore_mem>>) src(%dma_wait3A_61 : memref<4096x2048xf32, #tpu.memory_space<hbm>>) dst(%arg12 : memref<16x2048xf32, #tpu.memory_space<vmem>>)
    %dma_start3A_62 = arith.constant 0 : i32
    %dma_start3A_63 = tpu.memref_slice %arg6[%add3A_58, %dma_start3A_62] : memref<4096x2048xf32, #tpu.memory_space<hbm>> -> memref<16x2048xf32, #tpu.memory_space<hbm>>
    %dma_start3A_64 = arith.constant 0 : i32
    %dma_start3A_65 = tpu.memref_slice %arg6[%add3A_58, %dma_start3A_64] : memref<4096x2048xf32, #tpu.memory_space<hbm>> -> memref<16x2048xf32, #tpu.memory_space<hbm>>
    tpu.enqueue_dma source(%arg12 : memref<16x2048xf32, #tpu.memory_space<vmem>>) target(%dma_start3A_65 : memref<16x2048xf32, #tpu.memory_space<hbm>>) target_semaphore(%arg20 : memref<!tpu.dma_semaphore, #tpu.memory_space<semaphore_mem>>)
    %dma_wait3A_66 = arith.constant 0 : i32
    %dma_wait3A_67 = tpu.memref_slice %arg6[%add3A_36, %dma_wait3A_66] : memref<4096x2048xf32, #tpu.memory_space<hbm>> -> memref<16x2048xf32, #tpu.memory_space<hbm>>
    %dma_wait3A_68 = arith.constant 0 : i32
    %dma_wait3A_69 = tpu.memref_slice %arg6[%add3A_36, %dma_wait3A_68] : memref<4096x2048xf32, #tpu.memory_space<hbm>> -> memref<16x2048xf32, #tpu.memory_space<hbm>>
    tpu.wait_dma2 semaphore(%arg19 : memref<!tpu.dma_semaphore, #tpu.memory_space<semaphore_mem>>) src(%arg11 : memref<16x2048xf32, #tpu.memory_space<vmem>>) dst(%dma_wait3A_69 : memref<16x2048xf32, #tpu.memory_space<hbm>>)
    %mul3A_70 = arith.constant 128 : i32
    %mul3A_71 = arith.muli %add3A, %mul3A_70 : i32
    %add3A_72 = arith.constant 64 : i32
    %add3A_73 = arith.addi %mul3A_71, %add3A_72 : i32
    "tpu.region"() ({
      %run_scoped3A = tpu.sem_alloc : memref<!tpu.dma_semaphore, #tpu.memory_space<semaphore_mem>>
      %dma_start3A_177 = tpu.memref_slice %arg3[%add3A_73] : memref<4096xi32, #tpu.memory_space<hbm>> -> memref<16xi32, #tpu.memory_space<hbm>>
      %dma_start3A_178 = tpu.memref_slice %arg3[%add3A_73] : memref<4096xi32, #tpu.memory_space<hbm>> -> memref<16xi32, #tpu.memory_space<hbm>>
      tpu.enqueue_dma source(%dma_start3A_178 : memref<16xi32, #tpu.memory_space<hbm>>) target(%arg8 : memref<16xi32, #tpu.memory_space<vmem>>) target_semaphore(%run_scoped3A : memref<!tpu.dma_semaphore, #tpu.memory_space<semaphore_mem>>)
      %dma_wait3A_179 = tpu.memref_slice %arg3[%add3A_73] : memref<4096xi32, #tpu.memory_space<hbm>> -> memref<16xi32, #tpu.memory_space<hbm>>
      %dma_wait3A_180 = tpu.memref_slice %arg3[%add3A_73] : memref<4096xi32, #tpu.memory_space<hbm>> -> memref<16xi32, #tpu.memory_space<hbm>>
      tpu.wait_dma2 semaphore(%run_scoped3A : memref<!tpu.dma_semaphore, #tpu.memory_space<semaphore_mem>>) src(%dma_wait3A_180 : memref<16xi32, #tpu.memory_space<hbm>>) dst(%arg8 : memref<16xi32, #tpu.memory_space<vmem>>)
      tpu.yield
    }) : () -> ()
    %dma_start3A_74 = arith.constant 0 : i32
    %dma_start3A_75 = arith.constant 0 : i32
    %dma_start3A_76 = tpu.memref_slice %arg2[%dma_start3A_74, %dma_start3A_75] : memref<4096x2048xf32, #tpu.memory_space<hbm>> -> memref<4096x2048xf32, #tpu.memory_space<hbm>>
    tpu.enqueue_indirect_dma source(%dma_start3A_76 : memref<4096x2048xf32, #tpu.memory_space<hbm>>) target(%arg11 : memref<16x2048xf32, #tpu.memory_space<vmem>>) offsets(%arg8 : memref<16xi32, #tpu.memory_space<vmem>>) semaphore(%arg16 : memref<!tpu.dma_semaphore, #tpu.memory_space<semaphore_mem>>)
    %mul3A_77 = arith.constant 128 : i32
    %mul3A_78 = arith.muli %add3A, %mul3A_77 : i32
    %add3A_79 = arith.constant 48 : i32
    %add3A_80 = arith.addi %mul3A_78, %add3A_79 : i32
    %dma_wait3A_81 = arith.constant 0 : i32
    %dma_wait3A_82 = arith.constant 0 : i32
    %dma_wait3A_83 = tpu.memref_slice %arg2[%dma_wait3A_81, %dma_wait3A_82] : memref<4096x2048xf32, #tpu.memory_space<hbm>> -> memref<4096x2048xf32, #tpu.memory_space<hbm>>
    tpu.wait_indirect_dma semaphore(%arg15 : memref<!tpu.dma_semaphore, #tpu.memory_space<semaphore_mem>>) src(%dma_wait3A_83 : memref<4096x2048xf32, #tpu.memory_space<hbm>>) dst(%arg10 : memref<16x2048xf32, #tpu.memory_space<vmem>>)
    %dma_start3A_84 = arith.constant 0 : i32
    %dma_start3A_85 = tpu.memref_slice %arg6[%add3A_80, %dma_start3A_84] : memref<4096x2048xf32, #tpu.memory_space<hbm>> -> memref<16x2048xf32, #tpu.memory_space<hbm>>
    %dma_start3A_86 = arith.constant 0 : i32
    %dma_start3A_87 = tpu.memref_slice %arg6[%add3A_80, %dma_start3A_86] : memref<4096x2048xf32, #tpu.memory_space<hbm>> -> memref<16x2048xf32, #tpu.memory_space<hbm>>
    tpu.enqueue_dma source(%arg10 : memref<16x2048xf32, #tpu.memory_space<vmem>>) target(%dma_start3A_87 : memref<16x2048xf32, #tpu.memory_space<hbm>>) target_semaphore(%arg18 : memref<!tpu.dma_semaphore, #tpu.memory_space<semaphore_mem>>)
    %dma_wait3A_88 = arith.constant 0 : i32
    %dma_wait3A_89 = tpu.memref_slice %arg6[%add3A_58, %dma_wait3A_88] : memref<4096x2048xf32, #tpu.memory_space<hbm>> -> memref<16x2048xf32, #tpu.memory_space<hbm>>
    %dma_wait3A_90 = arith.constant 0 : i32
    %dma_wait3A_91 = tpu.memref_slice %arg6[%add3A_58, %dma_wait3A_90] : memref<4096x2048xf32, #tpu.memory_space<hbm>> -> memref<16x2048xf32, #tpu.memory_space<hbm>>
    tpu.wait_dma2 semaphore(%arg20 : memref<!tpu.dma_semaphore, #tpu.memory_space<semaphore_mem>>) src(%arg12 : memref<16x2048xf32, #tpu.memory_space<vmem>>) dst(%dma_wait3A_91 : memref<16x2048xf32, #tpu.memory_space<hbm>>)
    %mul3A_92 = arith.constant 128 : i32
    %mul3A_93 = arith.muli %add3A, %mul3A_92 : i32
    %add3A_94 = arith.constant 80 : i32
    %add3A_95 = arith.addi %mul3A_93, %add3A_94 : i32
    "tpu.region"() ({
      %run_scoped3A = tpu.sem_alloc : memref<!tpu.dma_semaphore, #tpu.memory_space<semaphore_mem>>
      %dma_start3A_177 = tpu.memref_slice %arg3[%add3A_95] : memref<4096xi32, #tpu.memory_space<hbm>> -> memref<16xi32, #tpu.memory_space<hbm>>
      %dma_start3A_178 = tpu.memref_slice %arg3[%add3A_95] : memref<4096xi32, #tpu.memory_space<hbm>> -> memref<16xi32, #tpu.memory_space<hbm>>
      tpu.enqueue_dma source(%dma_start3A_178 : memref<16xi32, #tpu.memory_space<hbm>>) target(%arg9 : memref<16xi32, #tpu.memory_space<vmem>>) target_semaphore(%run_scoped3A : memref<!tpu.dma_semaphore, #tpu.memory_space<semaphore_mem>>)
      %dma_wait3A_179 = tpu.memref_slice %arg3[%add3A_95] : memref<4096xi32, #tpu.memory_space<hbm>> -> memref<16xi32, #tpu.memory_space<hbm>>
      %dma_wait3A_180 = tpu.memref_slice %arg3[%add3A_95] : memref<4096xi32, #tpu.memory_space<hbm>> -> memref<16xi32, #tpu.memory_space<hbm>>
      tpu.wait_dma2 semaphore(%run_scoped3A : memref<!tpu.dma_semaphore, #tpu.memory_space<semaphore_mem>>) src(%dma_wait3A_180 : memref<16xi32, #tpu.memory_space<hbm>>) dst(%arg9 : memref<16xi32, #tpu.memory_space<vmem>>)
      tpu.yield
    }) : () -> ()
    %dma_start3A_96 = arith.constant 0 : i32
    %dma_start3A_97 = arith.constant 0 : i32
    %dma_start3A_98 = tpu.memref_slice %arg2[%dma_start3A_96, %dma_start3A_97] : memref<4096x2048xf32, #tpu.memory_space<hbm>> -> memref<4096x2048xf32, #tpu.memory_space<hbm>>
    tpu.enqueue_indirect_dma source(%dma_start3A_98 : memref<4096x2048xf32, #tpu.memory_space<hbm>>) target(%arg12 : memref<16x2048xf32, #tpu.memory_space<vmem>>) offsets(%arg9 : memref<16xi32, #tpu.memory_space<vmem>>) semaphore(%arg17 : memref<!tpu.dma_semaphore, #tpu.memory_space<semaphore_mem>>)
    %mul3A_99 = arith.constant 128 : i32
    %mul3A_100 = arith.muli %add3A, %mul3A_99 : i32
    %add3A_101 = arith.constant 64 : i32
    %add3A_102 = arith.addi %mul3A_100, %add3A_101 : i32
    %dma_wait3A_103 = arith.constant 0 : i32
    %dma_wait3A_104 = arith.constant 0 : i32
    %dma_wait3A_105 = tpu.memref_slice %arg2[%dma_wait3A_103, %dma_wait3A_104] : memref<4096x2048xf32, #tpu.memory_space<hbm>> -> memref<4096x2048xf32, #tpu.memory_space<hbm>>
    tpu.wait_indirect_dma semaphore(%arg16 : memref<!tpu.dma_semaphore, #tpu.memory_space<semaphore_mem>>) src(%dma_wait3A_105 : memref<4096x2048xf32, #tpu.memory_space<hbm>>) dst(%arg11 : memref<16x2048xf32, #tpu.memory_space<vmem>>)
    %dma_start3A_106 = arith.constant 0 : i32
    %dma_start3A_107 = tpu.memref_slice %arg6[%add3A_102, %dma_start3A_106] : memref<4096x2048xf32, #tpu.memory_space<hbm>> -> memref<16x2048xf32, #tpu.memory_space<hbm>>
    %dma_start3A_108 = arith.constant 0 : i32
    %dma_start3A_109 = tpu.memref_slice %arg6[%add3A_102, %dma_start3A_108] : memref<4096x2048xf32, #tpu.memory_space<hbm>> -> memref<16x2048xf32, #tpu.memory_space<hbm>>
    tpu.enqueue_dma source(%arg11 : memref<16x2048xf32, #tpu.memory_space<vmem>>) target(%dma_start3A_109 : memref<16x2048xf32, #tpu.memory_space<hbm>>) target_semaphore(%arg19 : memref<!tpu.dma_semaphore, #tpu.memory_space<semaphore_mem>>)
    %dma_wait3A_110 = arith.constant 0 : i32
    %dma_wait3A_111 = tpu.memref_slice %arg6[%add3A_80, %dma_wait3A_110] : memref<4096x2048xf32, #tpu.memory_space<hbm>> -> memref<16x2048xf32, #tpu.memory_space<hbm>>
    %dma_wait3A_112 = arith.constant 0 : i32
    %dma_wait3A_113 = tpu.memref_slice %arg6[%add3A_80, %dma_wait3A_112] : memref<4096x2048xf32, #tpu.memory_space<hbm>> -> memref<16x2048xf32, #tpu.memory_space<hbm>>
    tpu.wait_dma2 semaphore(%arg18 : memref<!tpu.dma_semaphore, #tpu.memory_space<semaphore_mem>>) src(%arg10 : memref<16x2048xf32, #tpu.memory_space<vmem>>) dst(%dma_wait3A_113 : memref<16x2048xf32, #tpu.memory_space<hbm>>)
    %mul3A_114 = arith.constant 128 : i32
    %mul3A_115 = arith.muli %add3A, %mul3A_114 : i32
    %add3A_116 = arith.constant 96 : i32
    %add3A_117 = arith.addi %mul3A_115, %add3A_116 : i32
    "tpu.region"() ({
      %run_scoped3A = tpu.sem_alloc : memref<!tpu.dma_semaphore, #tpu.memory_space<semaphore_mem>>
      %dma_start3A_177 = tpu.memref_slice %arg3[%add3A_117] : memref<4096xi32, #tpu.memory_space<hbm>> -> memref<16xi32, #tpu.memory_space<hbm>>
      %dma_start3A_178 = tpu.memref_slice %arg3[%add3A_117] : memref<4096xi32, #tpu.memory_space<hbm>> -> memref<16xi32, #tpu.memory_space<hbm>>
      tpu.enqueue_dma source(%dma_start3A_178 : memref<16xi32, #tpu.memory_space<hbm>>) target(%arg7 : memref<16xi32, #tpu.memory_space<vmem>>) target_semaphore(%run_scoped3A : memref<!tpu.dma_semaphore, #tpu.memory_space<semaphore_mem>>)
      %dma_wait3A_179 = tpu.memref_slice %arg3[%add3A_117] : memref<4096xi32, #tpu.memory_space<hbm>> -> memref<16xi32, #tpu.memory_space<hbm>>
      %dma_wait3A_180 = tpu.memref_slice %arg3[%add3A_117] : memref<4096xi32, #tpu.memory_space<hbm>> -> memref<16xi32, #tpu.memory_space<hbm>>
      tpu.wait_dma2 semaphore(%run_scoped3A : memref<!tpu.dma_semaphore, #tpu.memory_space<semaphore_mem>>) src(%dma_wait3A_180 : memref<16xi32, #tpu.memory_space<hbm>>) dst(%arg7 : memref<16xi32, #tpu.memory_space<vmem>>)
      tpu.yield
    }) : () -> ()
    %dma_start3A_118 = arith.constant 0 : i32
    %dma_start3A_119 = arith.constant 0 : i32
    %dma_start3A_120 = tpu.memref_slice %arg2[%dma_start3A_118, %dma_start3A_119] : memref<4096x2048xf32, #tpu.memory_space<hbm>> -> memref<4096x2048xf32, #tpu.memory_space<hbm>>
    tpu.enqueue_indirect_dma source(%dma_start3A_120 : memref<4096x2048xf32, #tpu.memory_space<hbm>>) target(%arg10 : memref<16x2048xf32, #tpu.memory_space<vmem>>) offsets(%arg7 : memref<16xi32, #tpu.memory_space<vmem>>) semaphore(%arg15 : memref<!tpu.dma_semaphore, #tpu.memory_space<semaphore_mem>>)
    %mul3A_121 = arith.constant 128 : i32
    %mul3A_122 = arith.muli %add3A, %mul3A_121 : i32
    %add3A_123 = arith.constant 80 : i32
    %add3A_124 = arith.addi %mul3A_122, %add3A_123 : i32
    %dma_wait3A_125 = arith.constant 0 : i32
    %dma_wait3A_126 = arith.constant 0 : i32
    %dma_wait3A_127 = tpu.memref_slice %arg2[%dma_wait3A_125, %dma_wait3A_126] : memref<4096x2048xf32, #tpu.memory_space<hbm>> -> memref<4096x2048xf32, #tpu.memory_space<hbm>>
    tpu.wait_indirect_dma semaphore(%arg17 : memref<!tpu.dma_semaphore, #tpu.memory_space<semaphore_mem>>) src(%dma_wait3A_127 : memref<4096x2048xf32, #tpu.memory_space<hbm>>) dst(%arg12 : memref<16x2048xf32, #tpu.memory_space<vmem>>)
    %dma_start3A_128 = arith.constant 0 : i32
    %dma_start3A_129 = tpu.memref_slice %arg6[%add3A_124, %dma_start3A_128] : memref<4096x2048xf32, #tpu.memory_space<hbm>> -> memref<16x2048xf32, #tpu.memory_space<hbm>>
    %dma_start3A_130 = arith.constant 0 : i32
    %dma_start3A_131 = tpu.memref_slice %arg6[%add3A_124, %dma_start3A_130] : memref<4096x2048xf32, #tpu.memory_space<hbm>> -> memref<16x2048xf32, #tpu.memory_space<hbm>>
    tpu.enqueue_dma source(%arg12 : memref<16x2048xf32, #tpu.memory_space<vmem>>) target(%dma_start3A_131 : memref<16x2048xf32, #tpu.memory_space<hbm>>) target_semaphore(%arg20 : memref<!tpu.dma_semaphore, #tpu.memory_space<semaphore_mem>>)
    %dma_wait3A_132 = arith.constant 0 : i32
    %dma_wait3A_133 = tpu.memref_slice %arg6[%add3A_102, %dma_wait3A_132] : memref<4096x2048xf32, #tpu.memory_space<hbm>> -> memref<16x2048xf32, #tpu.memory_space<hbm>>
    %dma_wait3A_134 = arith.constant 0 : i32
    %dma_wait3A_135 = tpu.memref_slice %arg6[%add3A_102, %dma_wait3A_134] : memref<4096x2048xf32, #tpu.memory_space<hbm>> -> memref<16x2048xf32, #tpu.memory_space<hbm>>
    tpu.wait_dma2 semaphore(%arg19 : memref<!tpu.dma_semaphore, #tpu.memory_space<semaphore_mem>>) src(%arg11 : memref<16x2048xf32, #tpu.memory_space<vmem>>) dst(%dma_wait3A_135 : memref<16x2048xf32, #tpu.memory_space<hbm>>)
    %mul3A_136 = arith.constant 128 : i32
    %mul3A_137 = arith.muli %add3A, %mul3A_136 : i32
    %add3A_138 = arith.constant 112 : i32
    %add3A_139 = arith.addi %mul3A_137, %add3A_138 : i32
    "tpu.region"() ({
      %run_scoped3A = tpu.sem_alloc : memref<!tpu.dma_semaphore, #tpu.memory_space<semaphore_mem>>
      %dma_start3A_177 = tpu.memref_slice %arg3[%add3A_139] : memref<4096xi32, #tpu.memory_space<hbm>> -> memref<16xi32, #tpu.memory_space<hbm>>
      %dma_start3A_178 = tpu.memref_slice %arg3[%add3A_139] : memref<4096xi32, #tpu.memory_space<hbm>> -> memref<16xi32, #tpu.memory_space<hbm>>
      tpu.enqueue_dma source(%dma_start3A_178 : memref<16xi32, #tpu.memory_space<hbm>>) target(%arg8 : memref<16xi32, #tpu.memory_space<vmem>>) target_semaphore(%run_scoped3A : memref<!tpu.dma_semaphore, #tpu.memory_space<semaphore_mem>>)
      %dma_wait3A_179 = tpu.memref_slice %arg3[%add3A_139] : memref<4096xi32, #tpu.memory_space<hbm>> -> memref<16xi32, #tpu.memory_space<hbm>>
      %dma_wait3A_180 = tpu.memref_slice %arg3[%add3A_139] : memref<4096xi32, #tpu.memory_space<hbm>> -> memref<16xi32, #tpu.memory_space<hbm>>
      tpu.wait_dma2 semaphore(%run_scoped3A : memref<!tpu.dma_semaphore, #tpu.memory_space<semaphore_mem>>) src(%dma_wait3A_180 : memref<16xi32, #tpu.memory_space<hbm>>) dst(%arg8 : memref<16xi32, #tpu.memory_space<vmem>>)
      tpu.yield
    }) : () -> ()
    %dma_start3A_140 = arith.constant 0 : i32
    %dma_start3A_141 = arith.constant 0 : i32
    %dma_start3A_142 = tpu.memref_slice %arg2[%dma_start3A_140, %dma_start3A_141] : memref<4096x2048xf32, #tpu.memory_space<hbm>> -> memref<4096x2048xf32, #tpu.memory_space<hbm>>
    tpu.enqueue_indirect_dma source(%dma_start3A_142 : memref<4096x2048xf32, #tpu.memory_space<hbm>>) target(%arg11 : memref<16x2048xf32, #tpu.memory_space<vmem>>) offsets(%arg8 : memref<16xi32, #tpu.memory_space<vmem>>) semaphore(%arg16 : memref<!tpu.dma_semaphore, #tpu.memory_space<semaphore_mem>>)
    %mul3A_143 = arith.constant 128 : i32
    %mul3A_144 = arith.muli %add3A, %mul3A_143 : i32
    %add3A_145 = arith.constant 96 : i32
    %add3A_146 = arith.addi %mul3A_144, %add3A_145 : i32
    %dma_wait3A_147 = arith.constant 0 : i32
    %dma_wait3A_148 = arith.constant 0 : i32
    %dma_wait3A_149 = tpu.memref_slice %arg2[%dma_wait3A_147, %dma_wait3A_148] : memref<4096x2048xf32, #tpu.memory_space<hbm>> -> memref<4096x2048xf32, #tpu.memory_space<hbm>>
    tpu.wait_indirect_dma semaphore(%arg15 : memref<!tpu.dma_semaphore, #tpu.memory_space<semaphore_mem>>) src(%dma_wait3A_149 : memref<4096x2048xf32, #tpu.memory_space<hbm>>) dst(%arg10 : memref<16x2048xf32, #tpu.memory_space<vmem>>)
    %dma_start3A_150 = arith.constant 0 : i32
    %dma_start3A_151 = tpu.memref_slice %arg6[%add3A_146, %dma_start3A_150] : memref<4096x2048xf32, #tpu.memory_space<hbm>> -> memref<16x2048xf32, #tpu.memory_space<hbm>>
    %dma_start3A_152 = arith.constant 0 : i32
    %dma_start3A_153 = tpu.memref_slice %arg6[%add3A_146, %dma_start3A_152] : memref<4096x2048xf32, #tpu.memory_space<hbm>> -> memref<16x2048xf32, #tpu.memory_space<hbm>>
    tpu.enqueue_dma source(%arg10 : memref<16x2048xf32, #tpu.memory_space<vmem>>) target(%dma_start3A_153 : memref<16x2048xf32, #tpu.memory_space<hbm>>) target_semaphore(%arg18 : memref<!tpu.dma_semaphore, #tpu.memory_space<semaphore_mem>>)
    %mul3A_154 = arith.constant 128 : i32
    %mul3A_155 = arith.muli %add3A, %mul3A_154 : i32
    %add3A_156 = arith.constant 112 : i32
    %add3A_157 = arith.addi %mul3A_155, %add3A_156 : i32
    %dma_wait3A_158 = arith.constant 0 : i32
    %dma_wait3A_159 = arith.constant 0 : i32
    %dma_wait3A_160 = tpu.memref_slice %arg2[%dma_wait3A_158, %dma_wait3A_159] : memref<4096x2048xf32, #tpu.memory_space<hbm>> -> memref<4096x2048xf32, #tpu.memory_space<hbm>>
    tpu.wait_indirect_dma semaphore(%arg16 : memref<!tpu.dma_semaphore, #tpu.memory_space<semaphore_mem>>) src(%dma_wait3A_160 : memref<4096x2048xf32, #tpu.memory_space<hbm>>) dst(%arg11 : memref<16x2048xf32, #tpu.memory_space<vmem>>)
    %dma_start3A_161 = arith.constant 0 : i32
    %dma_start3A_162 = tpu.memref_slice %arg6[%add3A_157, %dma_start3A_161] : memref<4096x2048xf32, #tpu.memory_space<hbm>> -> memref<16x2048xf32, #tpu.memory_space<hbm>>
    %dma_start3A_163 = arith.constant 0 : i32
    %dma_start3A_164 = tpu.memref_slice %arg6[%add3A_157, %dma_start3A_163] : memref<4096x2048xf32, #tpu.memory_space<hbm>> -> memref<16x2048xf32, #tpu.memory_space<hbm>>
    tpu.enqueue_dma source(%arg11 : memref<16x2048xf32, #tpu.memory_space<vmem>>) target(%dma_start3A_164 : memref<16x2048xf32, #tpu.memory_space<hbm>>) target_semaphore(%arg19 : memref<!tpu.dma_semaphore, #tpu.memory_space<semaphore_mem>>)
    %dma_wait3A_165 = arith.constant 0 : i32
    %dma_wait3A_166 = tpu.memref_slice %arg6[%add3A_146, %dma_wait3A_165] : memref<4096x2048xf32, #tpu.memory_space<hbm>> -> memref<16x2048xf32, #tpu.memory_space<hbm>>
    %dma_wait3A_167 = arith.constant 0 : i32
    %dma_wait3A_168 = tpu.memref_slice %arg6[%add3A_146, %dma_wait3A_167] : memref<4096x2048xf32, #tpu.memory_space<hbm>> -> memref<16x2048xf32, #tpu.memory_space<hbm>>
    tpu.wait_dma2 semaphore(%arg18 : memref<!tpu.dma_semaphore, #tpu.memory_space<semaphore_mem>>) src(%arg10 : memref<16x2048xf32, #tpu.memory_space<vmem>>) dst(%dma_wait3A_168 : memref<16x2048xf32, #tpu.memory_space<hbm>>)
    %dma_wait3A_169 = arith.constant 0 : i32
    %dma_wait3A_170 = tpu.memref_slice %arg6[%add3A_157, %dma_wait3A_169] : memref<4096x2048xf32, #tpu.memory_space<hbm>> -> memref<16x2048xf32, #tpu.memory_space<hbm>>
    %dma_wait3A_171 = arith.constant 0 : i32
    %dma_wait3A_172 = tpu.memref_slice %arg6[%add3A_157, %dma_wait3A_171] : memref<4096x2048xf32, #tpu.memory_space<hbm>> -> memref<16x2048xf32, #tpu.memory_space<hbm>>
    tpu.wait_dma2 semaphore(%arg19 : memref<!tpu.dma_semaphore, #tpu.memory_space<semaphore_mem>>) src(%arg11 : memref<16x2048xf32, #tpu.memory_space<vmem>>) dst(%dma_wait3A_172 : memref<16x2048xf32, #tpu.memory_space<hbm>>)
    %dma_wait3A_173 = arith.constant 0 : i32
    %dma_wait3A_174 = tpu.memref_slice %arg6[%add3A_124, %dma_wait3A_173] : memref<4096x2048xf32, #tpu.memory_space<hbm>> -> memref<16x2048xf32, #tpu.memory_space<hbm>>
    %dma_wait3A_175 = arith.constant 0 : i32
    %dma_wait3A_176 = tpu.memref_slice %arg6[%add3A_124, %dma_wait3A_175] : memref<4096x2048xf32, #tpu.memory_space<hbm>> -> memref<16x2048xf32, #tpu.memory_space<hbm>>
    tpu.wait_dma2 semaphore(%arg20 : memref<!tpu.dma_semaphore, #tpu.memory_space<semaphore_mem>>) src(%arg12 : memref<16x2048xf32, #tpu.memory_space<vmem>>) dst(%dma_wait3A_176 : memref<16x2048xf32, #tpu.memory_space<hbm>>)
    "tpu.region"() ({
      %run_scoped3A = tpu.sem_alloc : memref<!tpu.dma_semaphore, #tpu.memory_space<semaphore_mem>>
      %dma_start3A_177 = arith.constant 0 : i32
      %dma_start3A_178 = arith.constant 0 : i32
      %dma_start3A_179 = tpu.memref_slice %arg6[%dma_start3A_177, %dma_start3A_178] : memref<4096x2048xf32, #tpu.memory_space<hbm>> -> memref<4096x2048xf32, #tpu.memory_space<hbm>>
      tpu.enqueue_indirect_dma source(%arg13 : memref<2x2048xf32, #tpu.memory_space<vmem>>) target(%dma_start3A_179 : memref<4096x2048xf32, #tpu.memory_space<hbm>>) offsets(%arg14 : memref<2xi32, #tpu.memory_space<vmem>>) semaphore(%run_scoped3A : memref<!tpu.dma_semaphore, #tpu.memory_space<semaphore_mem>>)
      %dma_wait3A_180 = arith.constant 0 : i32
      %dma_wait3A_181 = arith.constant 0 : i32
      %dma_wait3A_182 = tpu.memref_slice %arg6[%dma_wait3A_180, %dma_wait3A_181] : memref<4096x2048xf32, #tpu.memory_space<hbm>> -> memref<4096x2048xf32, #tpu.memory_space<hbm>>
      tpu.wait_indirect_dma semaphore(%run_scoped3A : memref<!tpu.dma_semaphore, #tpu.memory_space<semaphore_mem>>) src(%arg13 : memref<2x2048xf32, #tpu.memory_space<vmem>>) dst(%dma_wait3A_182 : memref<4096x2048xf32, #tpu.memory_space<hbm>>)
      tpu.yield
    }) : () -> ()
    return
  }
}

module attributes {stable_mosaic.version = 14 : i64} {
  func.func @_norm_body(%arg0: memref<64x2048xf32, #tpu.memory_space<vmem>>, %arg1: memref<2048x2048xf32, #tpu.memory_space<vmem>>, %arg2: memref<64x2048xf32, #tpu.memory_space<vmem>>, %arg3: memref<64x64xf32, #tpu.memory_space<vmem>>, %arg4: memref<64x2048xf32, #tpu.memory_space<vmem>>, %arg5: memref<64x1xf32, #tpu.memory_space<vmem>>, %arg6: memref<64x64xi32, #tpu.memory_space<vmem>>, %arg7: memref<64x2048xf32, #tpu.memory_space<vmem>>, %arg8: memref<32x2xi32, #tpu.memory_space<vmem>>) attributes {dimension_semantics = [], scalar_prefetch = 0 : i64, scratch_operands = 0 : i64, tpu.core_type = #tpu.core_type<tc>} {
    %get3A = arith.constant 0 : index
    %get3A_0 = arith.constant 0 : index
    %get3A_1 = vector.load %arg0[%get3A, %get3A_0] : memref<64x2048xf32, #tpu.memory_space<vmem>>, vector<64x2048xf32>
    %get3A_2 = arith.constant 0 : index
    %get3A_3 = arith.constant 0 : index
    %get3A_4 = vector.load %arg1[%get3A_2, %get3A_3] : memref<2048x2048xf32, #tpu.memory_space<vmem>>, vector<2048x2048xf32>
    %dot_general3A = arith.constant dense<0.000000e+00> : vector<64x2048xf32>
    %dot_general3A_5 = tpu.matmul %get3A_1, %get3A_4, %dot_general3A {dimension_numbers = #tpu.dot_dimension_numbers<[1], [0], [0], [1], [0, 0, 1, 1], [], []>, transpose_lhs_hint = false} : vector<64x2048xf32>, vector<2048x2048xf32>, vector<64x2048xf32> -> vector<64x2048xf32>
    %tanh3A = math.tanh %dot_general3A_5 : vector<64x2048xf32>
    %get3A_6 = arith.constant 0 : index
    %get3A_7 = arith.constant 0 : index
    %get3A_8 = vector.load %arg2[%get3A_6, %get3A_7] : memref<64x2048xf32, #tpu.memory_space<vmem>>, vector<64x2048xf32>
    %sub3A = arith.subf %tanh3A, %get3A_8 : vector<64x2048xf32>
    %mul3A = arith.mulf %sub3A, %sub3A : vector<64x2048xf32>
    %reduce_sum3A = arith.constant dense<0.000000e+00> : vector<64xf32>
    %reduce_sum3A_9 = vector.multi_reduction <add>, %mul3A, %reduce_sum3A [1] : vector<64x2048xf32> to vector<64xf32>
    %broadcast_in_dim3A = vector.shape_cast %reduce_sum3A_9 : vector<64xf32> to vector<64x1xf32>
    %sqrt3A = math.sqrt %broadcast_in_dim3A : vector<64x1xf32>
    %get3A_10 = arith.constant 0 : index
    %get3A_11 = arith.constant 0 : index
    %get3A_12 = vector.load %arg3[%get3A_10, %get3A_11] : memref<64x64xf32, #tpu.memory_space<vmem>>, vector<64x1xf32>
    %gt3A = arith.cmpf ogt, %sqrt3A, %get3A_12 : vector<64x1xf32>
    %select_n3A = arith.select %gt3A, %sqrt3A, %get3A_12 : vector<64x1xi1>, vector<64x1xf32>
    %get3A_13 = arith.constant 0 : index
    %get3A_14 = arith.constant 1 : index
    %get3A_15 = vector.load %arg3[%get3A_13, %get3A_14] : memref<64x64xf32, #tpu.memory_space<vmem>>, vector<64x63xf32>
    %lt3A = vector.broadcast %select_n3A : vector<64x1xf32> to vector<64x63xf32>
    %lt3A_16 = arith.cmpf olt, %get3A_15, %lt3A : vector<64x63xf32>
    %convert_element_type3A = arith.extui %lt3A_16 : vector<64x63xi1> to vector<64x63xi32>
    %reduce_sum3A_17 = arith.constant dense<0> : vector<64xi32>
    %reduce_sum3A_18 = vector.multi_reduction <add>, %convert_element_type3A, %reduce_sum3A_17 [1] : vector<64x63xi32> to vector<64xi32>
    %broadcast_in_dim3A_19 = vector.shape_cast %reduce_sum3A_18 : vector<64xi32> to vector<64x1xi32>
    %swap3A = arith.constant 0 : index
    %swap3A_20 = arith.constant 0 : index
    %swap3A_21 = vector.load %arg5[%swap3A, %swap3A_20] : memref<64x1xf32, #tpu.memory_space<vmem>>, vector<64x1xf32>
    tpu.vector_store %arg5[%swap3A, %swap3A_20], %sqrt3A {strides = array<i32>} : memref<64x1xf32, #tpu.memory_space<vmem>>, vector<64x1xf32>,
    %iota3A = tpu.iota {dimensions = array<i32: 1>} : vector<64x64xi32>
    %iota3A_22 = tpu.iota {dimensions = array<i32: 0>} : vector<64x64xi32>
    %mul3A_23 = arith.constant 64 : i32
    %mul3A_24 = vector.broadcast %mul3A_23 : i32 to vector<64x64xi32>
    %mul3A_25 = arith.muli %iota3A_22, %mul3A_24 : vector<64x64xi32>
    %add3A = arith.addi %mul3A_25, %iota3A : vector<64x64xi32>
    %lt3A_26 = vector.broadcast %broadcast_in_dim3A_19 : vector<64x1xi32> to vector<64x64xi32>
    %lt3A_27 = arith.cmpi slt, %iota3A, %lt3A_26 : vector<64x64xi32>
    %convert_element_type3A_28 = arith.extui %lt3A_27 : vector<64x64xi1> to vector<64x64xi32>
    %add3A_29 = arith.addi %add3A, %convert_element_type3A_28 : vector<64x64xi32>
    %eq3A = vector.broadcast %broadcast_in_dim3A_19 : vector<64x1xi32> to vector<64x64xi32>
    %eq3A_30 = arith.cmpi eq, %iota3A, %eq3A : vector<64x64xi32>
    %select_n3A_31 = arith.select %eq3A_30, %mul3A_25, %add3A_29 : vector<64x64xi1>, vector<64x64xi32>
    %swap3A_32 = arith.constant 0 : index
    %swap3A_33 = arith.constant 0 : index
    %swap3A_34 = vector.load %arg6[%swap3A_32, %swap3A_33] : memref<64x64xi32, #tpu.memory_space<vmem>>, vector<64x64xi32>
    tpu.vector_store %arg6[%swap3A_32, %swap3A_33], %select_n3A_31 {strides = array<i32>} : memref<64x64xi32, #tpu.memory_space<vmem>>, vector<64x64xi32>,
    %get3A_35 = arith.constant 0 : index
    %get3A_36 = arith.constant 0 : index
    %get3A_37 = vector.load %arg2[%get3A_35, %get3A_36] : memref<64x2048xf32, #tpu.memory_space<vmem>>, vector<64x2048xf32>
    %get3A_38 = arith.constant 0 : index
    %get3A_39 = arith.constant 0 : index
    %get3A_40 = vector.load %arg4[%get3A_38, %get3A_39] : memref<64x2048xf32, #tpu.memory_space<vmem>>, vector<64x2048xf32>
    %broadcast_in_dim3A_41 = vector.shape_cast %gt3A : vector<64x1xi1> to vector<64x1xi1>
    %broadcast_in_dim3A_42 = vector.broadcast %broadcast_in_dim3A_41 : vector<64x1xi1> to vector<64x2048xi1>
    %select_n3A_43 = arith.select %broadcast_in_dim3A_42, %get3A_37, %get3A_40 : vector<64x2048xi1>, vector<64x2048xf32>
    %swap3A_44 = arith.constant 0 : index
    %swap3A_45 = arith.constant 0 : index
    %swap3A_46 = vector.load %arg7[%swap3A_44, %swap3A_45] : memref<64x2048xf32, #tpu.memory_space<vmem>>, vector<64x2048xf32>
    tpu.vector_store %arg7[%swap3A_44, %swap3A_45], %select_n3A_43 {strides = array<i32>} : memref<64x2048xf32, #tpu.memory_space<vmem>>, vector<64x2048xf32>,
    %slice3A = vector.extract_strided_slice %mul3A_25 {offsets = [0, 0], sizes = [64, 1], strides = [1, 1]} : vector<64x64xi32> to vector<64x1xi32>
    %add3A_47 = arith.addi %slice3A, %broadcast_in_dim3A_19 : vector<64x1xi32>
    %reshape3A = vector.shape_cast %add3A_47 : vector<64x1xi32> to vector<32x2xi32>
    %swap3A_48 = arith.constant 0 : index
    %swap3A_49 = arith.constant 0 : index
    %swap3A_50 = vector.load %arg8[%swap3A_48, %swap3A_49] : memref<32x2xi32, #tpu.memory_space<vmem>>, vector<32x2xi32>
    tpu.vector_store %arg8[%swap3A_48, %swap3A_49], %reshape3A {strides = array<i32>} : memref<32x2xi32, #tpu.memory_space<vmem>>, vector<32x2xi32>,
    return
  }
}

</mosaic_0001>

<sc_bundles>
// kernel: kernel.4.cloned.1.call-start
scs
__scs_entry_jumppad:
0x0: {  	(pc) =	sbr.rel $0x88, $3  }
0x1: {  	(tag) =	ssettag $0x0;
	lr =	simm.s32 $0x1  }
0x2: {  	[smem:$0x3F9C] =	sst lr;
	_ =	strace $0xD0000000  }
0x3: {  	_ = 	snop  }
0x4: {  	_ = 	snop  }
0x5: {  	_ = 	snop  }
0x6: {  	_ = 	snop  }
0x7: {  	_ = 	snop  }
__scs_overlays_trampoline_lowered:
0x8: {  	[smem:$0x3FAB] =	sst s0  }
0x9: {  	[smem:$0x3FAC] =	sst s1  }
0xa: {  	[smem:$0x3FAD] =	sst s2  }
0xb: {  	[smem:$0x3FAE] =	sst s3  }
0xc: {  	[smem:$0x3FAF] =	sst s4  }
0xd: {  	[smem:$0x3FB0] =	sst s5  }
0xe: {  	[smem:$0x3FB1] =	sst s6  }
0xf: {  	[smem:$0x3FB2] =	sst s7  }
0x10: {  	[smem:$0x3FB3] =	sst s8  }
0x11: {  	[smem:$0x3FB4] =	sst s9;
	s0 =	simm.s32 @!p0 $0x0  }
0x12: {  	s1 =	sld [smem:$0x3F9A];
	s0 =	simm.s32 @p0 $0x1  }
0x13: {  	[smem:$0x3FB5] =	sst s0;
	s0 =	simm.s32 @!p1 $0x0  }
0x14: {  	s2 =	sld [smem:$0x3F99];
	s0 =	simm.s32 @p1 $0x1  }
0x15: {  	[smem:$0x3FB6] =	sst s0;
	s0 =	simm.s32 @!p2 $0x0  }
0x16: {  	s3 =	sld [smem:$0x3FDB];
	s0 =	simm.s32 @p2 $0x1  }
0x17: {  	s4 =	simm.s32 $0x1BF5;
	[smem:$0x3FB8] =	sst s0  }
0x18: {  	s0 =	sld [smem:$0x3F9B];
	_ =	swait.ge [sflag:s4], $0x0  }
0x19: {  	s7 =	sld [smem:$0x3F9C]  }
0x1a: {  	s8 =	sadd.s32 $0xFFFFE003, lr  }
0x1b: {  	s9 =	sadd.s32 $0xFFFFFEF7, lr;
	s5 =	simm.s32 $0xFFFFFFFF;
	p2 =	slt.u32 s8, $0xFFFFF086  }
0x1c: {  	p1 =	slt.u32 s9, $0xF7A;
	s5 =	simm.s32 @!p2 $0x0  }
0x1d: {  	s5 =	simm.s32 @p1 $0x1;
	p0 =	seq.s32 s7, s2  }
0x1e: {  	s7 =	smul.u32 @!p0 $0xF7A, s2;
	p2 =	seq.s32 @!p0 s5, $0x0  }
0x1f: {  	s9 =	smul.u32 $0xF7A, s1;
	s8 =	simm.s32 @!p0 $0x1BF5;
	p2 =	por !p2, p0  }
0x20: {  	[sflag:s8] =	ssyncset.s32 @!p0 $0xFFFFF086;
	s6 =	sadd.s32 @!p0 s3, s7;
	s7 =	simm.s32 @!p0 $0x108  }
0x21: {  	s3 =	sadd.s32 s3, s9;
	s6 =	sadd.s32 @!p0 $0x88, s6;
	s7 =	simm.s32 @p2 $0x1082  }
0x22: {  	[simem:s7], [sflag:s8] =	dma.local @!p0 [hbm:s6], $0xF7A  }
0x23: {  	s9 =	sor.u32 $0xD0000000, s2;
	s6 =	simm.s32 $0x108;
	_ =	swait.ge @!p0 [sflag:s8], $0x0  }
0x24: {  	s3 =	sadd.s32 $0x88, s3;
	s6 =	simm.s32 @!p1 $0x1082;
	[sflag:s4] =	ssyncset.s32 $0xFFFFF086  }
0x25: {  	[simem:s6], [sflag:s4] =	dma.local [hbm:s3], $0xF7A  }
0x26: {  	[smem:$0x3F9C] =	sst s1;
	(tag) =	ssettag s2;
	_ =	strace s9  }
0x27: {  	s1 =	sld [smem:$0x3FAC]  }
0x28: {  	s2 =	sld [smem:$0x3FAD]  }
0x29: {  	s4 =	sld [smem:$0x3FAF]  }
0x2a: {  	p0 =	seq.s32 s5, $0x0;
	s5 =	sld [smem:$0x3FB0]  }
0x2b: {  	s6 =	sld [smem:$0x3FB1]  }
0x2c: {  	s7 =	sld [smem:$0x3FB2]  }
0x2d: {  	s3 =	simm.s32 $0x108;
	s8 =	sld [smem:$0x3FB3]  }
0x2e: {  	s3 =	simm.s32 @!p0 $0x1082;
	s9 =	sld [smem:$0x3FB4]  }
0x2f: {  	lr =	sadd.s32 s0, s3;
	s0 =	sld [smem:$0x3FAB]  }
0x30: {  	s3 =	sld [smem:$0x3FAE]  }
0x31: {  	[smem:$0x3FB7] =	sst s10  }
0x32: {  	s10 =	sld [smem:$0x3FB5];
	_ =	sdelay $0x3  }
0x33: {  	p0 =	seq.s32 s10, $0x1;
	s10 =	sld [smem:$0x3FB7];
	_ =	sdelay $0x3  }
0x34: {  	[smem:$0x3FB7] =	sst s10  }
0x35: {  	s10 =	sld [smem:$0x3FB6];
	_ =	sdelay $0x3  }
0x36: {  	p1 =	seq.s32 s10, $0x1;
	s10 =	sld [smem:$0x3FB7];
	_ =	sdelay $0x3  }
0x37: {  	[smem:$0x3FB7] =	sst s10  }
0x38: {  	s10 =	sld [smem:$0x3FB8]  }
0x39: {  	_ = 	snop;
	(pc) =	sbr.ind lr, $3  }
0x3a: {  	_ = 	snop  }
0x3b: {  	_ = 	snop  }
0x3c: {  	p2 =	seq.s32 s10, $0x1;
	s10 =	sld [smem:$0x3FB7]  }
0x3d: {  	_ =	shalt  }
0x3e: {  	_ =	shalt  }
0x3f: {  	_ =	shalt  }
0x40: {  	_ =	shalt  }
0x41: {  	_ =	shalt  }
0x42: {  	_ =	shalt  }
0x43: {  	_ =	shalt  }
0x44: {  	_ =	shalt  }
0x45: {  	_ =	shalt  }
0x46: {  	_ =	shalt  }
0x47: {  	_ =	shalt  }
0x48: {  	_ =	shalt  }
0x49: {  	_ =	shalt  }
0x4a: {  	_ =	shalt  }
0x4b: {  	_ =	shalt  }
0x4c: {  	_ =	shalt  }
0x4d: {  	_ =	shalt  }
0x4e: {  	_ =	shalt  }
0x4f: {  	_ =	shalt  }
0x50: {  	_ =	shalt  }
0x51: {  	_ =	shalt  }
0x52: {  	_ =	shalt  }
0x53: {  	_ =	shalt  }
0x54: {  	_ =	shalt  }
0x55: {  	_ =	shalt  }
0x56: {  	_ =	shalt  }
0x57: {  	_ =	shalt  }
0x58: {  	_ =	shalt  }
0x59: {  	_ =	shalt  }
0x5a: {  	_ =	shalt  }
0x5b: {  	_ =	shalt  }
0x5c: {  	_ =	shalt  }
0x5d: {  	_ =	shalt  }
0x5e: {  	_ =	shalt  }
0x5f: {  	_ =	shalt  }
0x60: {  	_ =	shalt  }
0x61: {  	_ =	shalt  }
0x62: {  	_ =	shalt  }
0x63: {  	_ =	shalt  }
0x64: {  	_ =	shalt  }
0x65: {  	_ =	shalt  }
0x66: {  	_ =	shalt  }
0x67: {  	_ =	shalt  }
0x68: {  	_ =	shalt  }
0x69: {  	_ =	shalt  }
0x6a: {  	_ =	shalt  }
0x6b: {  	_ =	shalt  }
0x6c: {  	_ =	shalt  }
0x6d: {  	_ =	shalt  }
0x6e: {  	_ =	shalt  }
0x6f: {  	_ =	shalt  }
0x70: {  	_ =	shalt  }
0x71: {  	_ =	shalt  }
0x72: {  	_ =	shalt  }
0x73: {  	_ =	shalt  }
0x74: {  	_ =	shalt  }
0x75: {  	_ =	shalt  }
0x76: {  	_ =	shalt  }
0x77: {  	_ =	shalt  }
0x78: {  	_ =	shalt  }
0x79: {  	_ =	shalt  }
0x7a: {  	_ =	shalt  }
0x7b: {  	_ =	shalt  }
0x7c: {  	_ =	shalt  }
0x7d: {  	_ =	shalt  }
0x7e: {  	_ =	shalt  }
0x7f: {  	_ =	shalt  }
0x80: {  	_ =	shalt  }
0x81: {  	_ =	shalt  }
0x82: {  	_ =	shalt  }
0x83: {  	_ =	shalt  }
0x84: {  	_ =	shalt  }
0x85: {  	_ =	shalt  }
0x86: {  	_ =	shalt  }
0x87: {  	_ =	shalt  }
.Lfunc_end0:
.L_simem_size_0:
called_computation_lowered:
.L_overlay_start_0:
0x88: {  	s2 =	sld [smem:$0x3FD9]  }
0x89: {  	s3 =	sld [smem:$0x3FFE];
	_ =	sdelay $0x1  }
0x8a: {  	s1 =	srdreg.scid  }
0x8b: {  	s0 =	sand.u32 $0x1, s1  }
0x8c: {  	s14 =	sshll.u32 s0, $0xA;
	s2 =	sadd.s32 s3, s2  }
0x8d: {  	s2 =	sadd.s32 s2, s14  }
0x8e: {  	[smem:$0x3FC3] =	sst s2  }
0x8f: {  	_ = 	snop  }
0x90: {  	s2 =	sld [smem:$0x3FD0];
	_ =	sdelay $0x2  }
0x91: {  	s4 =	simm.s32 $0xA;
	s5 =	simm.s32 $0x10;
	s15 =	sld [smem:$0x3FC9]  }
0x92: {  	[smem:s5], [sflag:s4] =	dma.local [hbm:s2], $0x1  }
0x93: {  	_ =	swait.eq [sflag:s4], $0x1  }
0x94: {  	[sflag:s4] =	ssyncset.done $0x0  }
0x95: {  	[sflag:s4] =	ssyncadd.s32 $0xFFFFFFFF  }
0x96: {  	s16 =	sld [smem:$0x10];
	(tm) =	ssettm $0x1  }
0x97: {  	s17 =	sld [smem:$0x3FFB];
	_ =	sdelay $0x3  }
0x98: {  	_ =	strace s17  }
0x99: {  	s4 =	sld [smem:$0x3FFC];
	_ =	sdelay $0x3  }
0x9a: {  	_ =	strace s4  }
0x9b: {  	s4 =	sld [smem:$0x3FFD];
	_ =	sdelay $0x3  }
0x9c: {  	_ =	strace s4  }
0x9d: {  	_ =	strace $0x8FFFFFFF  }
0x9e: {  	s18 =	sld [smem:$0x3FDB];
	_ =	sdelay $0x1  }
0x9f: {  	s19 =	simm.s32 $_scs_section_size  }
0xa0: {  	s6 =	simm.s32 $_size__tile_overlayer_lowered;
	s7 =	simm.s32 $_tile_overlayer_lowered  }
0xa1: {  	s22 =	simm.s32 $0x1BFF;
	s21 =	sshll.u32 s7, $0x1;
	s4 =	sadd.s32 s19, s18  }
0xa2: {  	s8 =	simm.s32 $0x0;
	s20 =	sshll.u32 s6, $0x1;
	s6 =	sadd.s32 s21, s4  }
0xa3: {  	[timem:s8], [sflag:s22] =	dma.local [hbm:s6], s20  }
0xa4: {  	_ =	swait.ge [sflag:s22], s20  }
0xa5: {  	s5 =	ssub.s32 $0x0, s20;
	[sflag:s22] =	ssyncset.done $0x0  }
0xa6: {  	[sflag:s22] =	ssyncadd.s32 s5;
	_ =	sdelay $0x1  }
0xa7: {  	s23 =	simm.s32 $0x1B8B  }
0xa8: {  	_ =	swait.ge [sflag:s23], $0x1  }
0xa9: {  	[sflag:s23] =	ssyncset.done $0x0  }
0xaa: {  	s25 =	simm.s32 $0x1B8E;
	s24 =	sld [smem:$0x3FFE];
	[sflag:s23] =	ssyncadd.s32 $0xFFFFFFFF  }
0xab: {  	s26 =	simm.s32 $execute0_lowered;
	[smem:$0x3FD2] =	sst s25  }
0xac: {  	s6 =	sshll.u32 s26, $0x1;
	_ =	strace $0x80000046;
	[dreg:$0x1] =	wrdreg $0xFFFFFFFF  }
0xad: {  	s28 =	simm.s32 $_size_execute0_lowered;
	s4 =	sadd.s32 s4, s6;
	[dreg:$0x0] =	wrdreg $0x0  }
0xae: {  	s6 =	sshll.u32 s28, $0x1;
	[dreg:$0x2] =	wrdreg s4  }
0xaf: {  	[dreg:$0x3] =	wrdreg s6  }
0xb0: {  	[dreg:$0x4] =	wrdreg $0xC0  }
0xb1: {  	_ =	task [dreg:s8], $0x5FFFF  }
0xb2: {  	[dreg:$0x1] =	wrdreg $0xFFFFFFFF  }
0xb3: {  	[dreg:$0x0] =	wrdreg $0x60  }
0xb4: {  	[dreg:$0x2] =	wrdreg s15  }
0xb5: {  	[dreg:$0x3] =	wrdreg s24  }
0xb6: {  	[dreg:$0x4] =	wrdreg s16  }
0xb7: {  	[dreg:$0x5] =	wrdreg $0x9  }
0xb8: {  	_ =	task.clear_ibuf [dreg:s8], $0x6FFFF;
	_ =	strace $0x90000046  }
0xb9: {  	s29 =	simm.s32 $0x9;
	_ =	strace $0x80000048  }
0xba: {  	_ =	swait.ge [sflag:s29], $0x1  }
0xbb: {  	[sflag:s29] =	ssyncadd.s32 $0xFFFFFFFF  }
0xbc: {  	_ =	strace $0x90000048  }
0xbd: {  	_ =	sfence  }
0xbe: {  	s30 =	sld [smem:$0x0];
	_ =	sdelay $0x2  }
0xbf: {  	s31 =	sshll.u32 s1, $0xD;
	s1 =	sshrl.u32 s1, $0x2  }
0xc0: {  	s3 =	sand.u32 $0x4000, s31;
	s1 =	sadd.s32 s1, s30  }
0xc1: {  	s0 =	sor.u32 s3, s0;
	s1 =	sshll.u32 s1, $0x11  }
0xc2: {  	s0 =	sor.u32 s1, s0  }
0xc3: {  	s0 =	sadd.s32 $0x8F2B, s0  }
0xc4: {  	[sflag:s0] =	ssyncadd.remote.s32 $0x1  }
0xc5: {  	_ =	sfence.sel $0xFFFF  }
0xc6: {  	[dreg:$0x0] =	wrdreg $0xFFFFFFFF;
	(pc) =	sbr.abs _section_cstart, $3  }
0xc7: {  	[dreg:$0x1] =	wrdreg $0xFFFFFFFF  }
0xc8: {  	_ =	task.clear_ibuf [dreg:s8], $0x2FFFF;
	_ =	strace $0x9FFFFFFF  }
0xc9: {  	(tm) =	ssettm $0x7FFFFFFF  }
tec
execute0_lowered:
.L_overlay_start_1:
0x0: {  	(tag) =	ssettag $0x1  }
0x1: {  	s1 =	rddreg [dreg:$0x0]  }
0x2: {  	s0 =	rddreg [dreg:$0x1]  }
0x3: {  	s13 =	rddreg [dreg:$0x2]  }
0x4: {  	s4 =	simm.s32 $0x0;
	s5 =	stileid.u32;
	s2 =	srdreg.scid  }
0x5: {  	s28 =	simm.s32 $0x13980;
	s29 =	simm.s32 $0x14180;
	s30 =	simm.s32 $0x14980  }
0x6: {  	[smem:$0x7FF] =	sst s4;
	s3 =	sand.u32 $0x1, s2;
	s15 =	sshll.u32 s5, $0x1  }
0x7: {  	s5 =	sshll.u32 s5, $0xA;
	s2 =	sadd.s32 $0x5400, s0;
	_ =	strace $0x80000047  }
0x8: {  	s7 =	sor.u32 s3, s15;
	s5 =	sand.u32 $0x3800, s5;
	s3 =	ssub.s32 $0x2, s3  }
0x9: {  	s6 =	sshll.u32 s7, $0x5;
	s5 =	sadd.s32 s5, s0;
	s8 =	sshll.u32 s7, $0x4  }
0xa: {  	s9 =	sshrl.u32 s3, $0x1;
	s6 =	sand.u32 $0x60, s6;
	s16 =	sadd.s32 s8, s0  }
0xb: {  	s0 =	ssub.s32 s3, s9;
	s3 =	sshll.u32 s7, $0x7;
	s19 =	sadd.s32 s2, s8  }
0xc: {  	s7 =	sshll.u32 s7, $0xF;
	s5 =	sadd.s32 s6, s5;
	s18 =	sadd.s32 $0x5200, s16  }
0xd: {  	s20 =	sor.u32 $0x10, s3;
	[dreg:$0x6] =	wrdreg s19;
	s6 =	sadd.s32 $0x200, s1  }
0xe: {  	s22 =	sadd.s32 s13, s7;
	s10 =	sor.u32 $0x20, s3;
	s7 =	sadd.s32 $0x300, s1  }
0xf: {  	s11 =	sor.u32 $0x30, s3;
	s31 =	sor.u32 $0x40, s3;
	s17 =	sadd.s32 $0x1200, s5  }
0x10: {  	[dreg:$0x5] =	wrdreg s18;
	s5 =	sadd.s32 $0x100, s1;
	s21 =	sshrl.u32 s20, $0x3  }
0x11: {  	[dreg:$0x8] =	wrdreg s22;
	s23 =	sshrl.u32 s10, $0x3;
	s8 =	sshll.u32 s20, $0x8  }
0x12: {  	s24 =	sshrl.u32 s11, $0x3;
	s26 =	sshll.u32 s10, $0x8;
	s12 =	sshrl.u32 s31, $0x3  }
0x13: {  	s10 =	sshll.u32 s31, $0x8;
	s31 =	simm.s32 $0x18980;
	[dreg:$0x4] =	wrdreg s17  }
0x14: {  	s11 =	sshll.u32 s11, $0x8;
	s9 =	sadd.s32 s2, s21;
	[dreg:$0x19] =	wrdreg s31  }
0x15: {  	s8 =	sadd.s32 s13, s8;
	s25 =	sadd.s32 s2, s24;
	[dreg:$0x7] =	wrdreg s9  }
0x16: {  	s14 =	sadd.s32 s13, s11;
	s10 =	sadd.s32 s13, s10;
	[dreg:$0xa] =	wrdreg s8  }
0x17: {  	s17 =	sor.u32 $0x60, s3;
	s11 =	sadd.s32 $0x700, s1;
	[dreg:$0xb] =	wrdreg s25  }
0x18: {  	s24 =	sadd.s32 $0x400, s13;
	s9 =	sadd.s32 s2, s23;
	[dreg:$0xe] =	wrdreg s14  }
0x19: {  	s8 =	sadd.s32 $0x400, s1;
	[dreg:$0x10] =	wrdreg s10;
	s18 =	sshrl.u32 s17, $0x3  }
0x1a: {  	s21 =	sshll.u32 s17, $0x8;
	[dreg:$0x16] =	wrdreg s24;
	s25 =	simm.s32 $0x400  }
0x1b: {  	s14 =	simm.s32 $0x4;
	s17 =	simm.s32 $0x5;
	[dreg:$0x9] =	wrdreg s9  }
0x1c: {  	s24 =	simm.s32 $0x12180;
	s9 =	sadd.s32 s13, s26;
	[dreg:$0x17] =	wrdreg s25  }
0x1d: {  	s10 =	sadd.s32 s2, s18;
	s22 =	sadd.s32 s13, s21;
	[dreg:$0xc] =	wrdreg s9  }
0x1e: {  	s26 =	simm.s32 $0x19180;
	s25 =	simm.s32 $0x12980;
	[dreg:$0x11] =	wrdreg s10  }
0x1f: {  	s9 =	sadd.s32 s2, s12;
	s12 =	sor.u32 $0x50, s3;
	[dreg:$0x14] =	wrdreg s22  }
0x20: {  	s3 =	sor.u32 $0x70, s3;
	s10 =	sadd.s32 $0x600, s1;
	[dreg:$0x18] =	wrdreg s26  }
0x21: {  	s22 =	simm.s32 $0x11980;
	s26 =	simm.s32 $0x13180;
	s15 =	sshrl.u32 s12, $0x3  }
0x22: {  	[dreg:$0xd] =	wrdreg s9;
	s12 =	sshll.u32 s12, $0x8;
	s16 =	sadd.s32 s2, s15  }
0x23: {  	s20 =	sshrl.u32 s3, $0x3;
	s19 =	sadd.s32 s13, s12;
	[dreg:$0xf] =	wrdreg s16  }
0x24: {  	v3 =	vlaneseq.u32;
	s3 =	sshll.u32 s3, $0x8;
	s2 =	sadd.s32 s2, s20;
	[dreg:$0x12] =	wrdreg s19  }
0x25: {  	vm0 =	vmmov $0xffff;
	v0 =	vand.u32 $0x7, v3;
	s9 =	sadd.s32 $0x500, s1;
	s23 =	sadd.s32 s13, s3;
	[dreg:$0x13] =	wrdreg s2  }
0x26: {  	v1 =	vshrl.u32 v3, $0x3;
	v4 =	vshrl.u32 v3, $0x1;
	v2 =	vor.u32 $0x8, v3;
	s12 =	smax.u32 s0, $0x1;
	s15 =	simm.s32 $0x7;
	[dreg:$0x15] =	wrdreg s23  }
0x27: {  	v3 =	vand.u32 $0x1, v3;
	v1 =	vmul.u32 $0x8, v1;
	v4 =	vmul.u32 $0x8, v4;
	s16 =	simm.s32 $0x1;
	s2 =	simm.s32 $0x2;
	s23 =	simm.s32 $0x15180  }
.LBB2_1:
0x28: {  	s19 =	rddreg [dreg:$0x4]  }
0x29: {  	s20 =	rddreg [dreg:$0x17];
	s3 =	simm.s32 $0x100;
	s0 =	simm.s32 $0x18180  }
0x2a: {  	[tilespmem:s0], [sflag:$0x7] =	stream.strided.gather [hbm4b:s19+s3], $0x1000, s20, s3, $0x38;
	[tilespmem:$0x19200] =	vst v63  }
0x2b: {  	_ =	swait.ge [sflag:s15], $0x1000  }
0x2c: {  	s3 =	rddreg [dreg:$0x5];
	[sflag:s15] =	ssyncset.done $0x0  }
0x2d: {  	s13 =	rddreg [dreg:$0x18];
	[sflag:s15] =	ssyncadd.s32 $0xFFFFF000  }
0x2e: {  	[tilespmem:s13], [sflag:$0x7] =	stream.linear.gather [hbm4b:s3+s4], $0x80, $0x38;
	[tilespmem:$0x19200] =	vst v63  }
0x2f: {  	_ =	swait.ge [sflag:s15], $0x80  }
0x30: {  	[sflag:s15] =	ssyncset.done $0x0  }
0x31: {  	s21 =	rddreg [dreg:$0x6];
	[sflag:s15] =	ssyncadd.s32 $0xFFFFFF80  }
0x32: {  	[tilespmem:s4], [sflag:$0x7] =	stream.linear.gather [hbm4b:s21+s4], $0x10, $0x38;
	[tilespmem:$0x19200] =	vst v63  }
0x33: {  	_ =	swait.ge [sflag:s15], $0x10  }
0x34: {  	[sflag:s15] =	ssyncset.done $0x0  }
0x35: {  	[sflag:s15] =	ssyncadd.s32 $0xFFFFFFF0  }
0x36: {  	v5 =	vld [tilespmem:$0x0];
	_ =	sdelay $0x4  }
0x37: {  	v6 =	vshll.u32 v5, $0x4  }
0x38: {  	v5 =	vand.u32 $0x7, v5;
	v6 =	vand.u32 $0xFFFFFF80, v6  }
0x39: {  	v5 =	vor.u32 v5, v6  }
0x3a: {  	v6 =	vperm.xlane v5, v0;
	_ =	sdelay $0x1  }
0x3b: {  	v6 =	vadd.s32 v1, v6;
	_ =	sdelay $0x3  }
0x3c: {  	s3 =	simm.s32 $0x180  }
0x3d: {  	[tilespmem:s3], [sflag:$0x1] =	stream.indirect_vreg.gather [hbm4b:s1+s4], $0x80, v6, vm0, $0xb8;
	[tilespmem:$0x19200] =	vst v63  }
0x3e: {  	s31 =	simm.s32 $0x980  }
0x3f: {  	[tilespmem:s31], [sflag:$0x1] =	stream.indirect_vreg.gather [hbm4b:s5+s4], $0x80, v6, vm0, $0xb8;
	[tilespmem:$0x19200] =	vst v63  }
0x40: {  	s13 =	simm.s32 $0x1180  }
0x41: {  	[tilespmem:s13], [sflag:$0x1] =	stream.indirect_vreg.gather [hbm4b:s6+s4], $0x80, v6, vm0, $0xb8;
	[tilespmem:$0x19200] =	vst v63  }
0x42: {  	s19 =	simm.s32 $0x1980  }
0x43: {  	[tilespmem:s19], [sflag:$0x1] =	stream.indirect_vreg.gather [hbm4b:s7+s4], $0x80, v6, vm0, $0xb8;
	[tilespmem:$0x19200] =	vst v63  }
0x44: {  	s20 =	simm.s32 $0x2180  }
0x45: {  	[tilespmem:s20], [sflag:$0x1] =	stream.indirect_vreg.gather [hbm4b:s8+s4], $0x80, v6, vm0, $0xb8;
	[tilespmem:$0x19200] =	vst v63  }
0x46: {  	s21 =	simm.s32 $0x2980;
	v5 =	vperm.xlane v5, v2  }
0x47: {  	[tilespmem:s21], [sflag:$0x1] =	stream.indirect_vreg.gather [hbm4b:s9+s4], $0x80, v6, vm0, $0xb8;
	[tilespmem:$0x19200] =	vst v63  }
0x48: {  	v5 =	vadd.s32 v1, v5;
	s31 =	simm.s32 $0x3180  }
0x49: {  	[tilespmem:s31], [sflag:$0x1] =	stream.indirect_vreg.gather [hbm4b:s10+s4], $0x80, v6, vm0, $0xb8;
	[tilespmem:$0x19200] =	vst v63  }
0x4a: {  	s13 =	simm.s32 $0x3980  }
0x4b: {  	[tilespmem:s13], [sflag:$0x1] =	stream.indirect_vreg.gather [hbm4b:s11+s4], $0x80, v6, vm0, $0xb8;
	[tilespmem:$0x19200] =	vst v63  }
0x4c: {  	s19 =	simm.s32 $0x4180  }
0x4d: {  	[tilespmem:s19], [sflag:$0x1] =	stream.indirect_vreg.gather [hbm4b:s1+s4], $0x80, v5, vm0, $0xb8;
	[tilespmem:$0x19200] =	vst v63  }
0x4e: {  	s20 =	simm.s32 $0x4980  }
0x4f: {  	[tilespmem:s20], [sflag:$0x1] =	stream.indirect_vreg.gather [hbm4b:s5+s4], $0x80, v5, vm0, $0xb8;
	[tilespmem:$0x19200] =	vst v63  }
0x50: {  	s21 =	simm.s32 $0x5180  }
0x51: {  	[tilespmem:s21], [sflag:$0x1] =	stream.indirect_vreg.gather [hbm4b:s6+s4], $0x80, v5, vm0, $0xb8;
	[tilespmem:$0x19200] =	vst v63  }
0x52: {  	s31 =	simm.s32 $0x5980  }
0x53: {  	[tilespmem:s31], [sflag:$0x1] =	stream.indirect_vreg.gather [hbm4b:s7+s4], $0x80, v5, vm0, $0xb8;
	[tilespmem:$0x19200] =	vst v63  }
0x54: {  	s13 =	simm.s32 $0x6180  }
0x55: {  	[tilespmem:s13], [sflag:$0x1] =	stream.indirect_vreg.gather [hbm4b:s8+s4], $0x80, v5, vm0, $0xb8;
	[tilespmem:$0x19200] =	vst v63  }
0x56: {  	s19 =	simm.s32 $0x6980  }
0x57: {  	[tilespmem:s19], [sflag:$0x1] =	stream.indirect_vreg.gather [hbm4b:s9+s4], $0x80, v5, vm0, $0xb8;
	[tilespmem:$0x19200] =	vst v63  }
0x58: {  	s20 =	simm.s32 $0x7180  }
0x59: {  	[tilespmem:s20], [sflag:$0x1] =	stream.indirect_vreg.gather [hbm4b:s10+s4], $0x80, v5, vm0, $0xb8;
	[tilespmem:$0x19200] =	vst v63  }
0x5a: {  	s31 =	simm.s32 $0x7980  }
0x5b: {  	[tilespmem:s31], [sflag:$0x1] =	stream.indirect_vreg.gather [hbm4b:s11+s4], $0x80, v5, vm0, $0xb8;
	[tilespmem:$0x19200] =	vst v63  }
0x5c: {  	s21 =	rddreg [dreg:$0x7];
	s13 =	simm.s32 $0x80  }
0x5d: {  	[tilespmem:s13], [sflag:$0x7] =	stream.linear.gather [hbm4b:s21+s4], $0x10, $0x38;
	[tilespmem:$0x19200] =	vst v63  }
0x5e: {  	_ =	swait.ge [sflag:s15], $0x10  }
0x5f: {  	[sflag:s15] =	ssyncset.done $0x0  }
0x60: {  	[sflag:s15] =	ssyncadd.s32 $0xFFFFFFF0  }
0x61: {  	v5 =	vld [tilespmem:$0x80];
	_ =	sdelay $0x4  }
0x62: {  	v6 =	vshll.u32 v5, $0x4  }
0x63: {  	v5 =	vand.u32 $0x7, v5;
	v6 =	vand.u32 $0xFFFFFF80, v6  }
0x64: {  	v5 =	vor.u32 v5, v6  }
0x65: {  	v6 =	vperm.xlane v5, v0;
	_ =	sdelay $0x1  }
0x66: {  	v6 =	vadd.s32 v1, v6;
	_ =	sdelay $0x3  }
0x67: {  	s0 =	simm.s32 $0x8180  }
0x68: {  	[tilespmem:s0], [sflag:$0x2] =	stream.indirect_vreg.gather [hbm4b:s1+s4], $0x80, v6, vm0, $0xb8;
	[tilespmem:$0x19200] =	vst v63  }
0x69: {  	s13 =	simm.s32 $0x8980  }
0x6a: {  	[tilespmem:s13], [sflag:$0x2] =	stream.indirect_vreg.gather [hbm4b:s5+s4], $0x80, v6, vm0, $0xb8;
	[tilespmem:$0x19200] =	vst v63  }
0x6b: {  	s19 =	simm.s32 $0x9180  }
0x6c: {  	[tilespmem:s19], [sflag:$0x2] =	stream.indirect_vreg.gather [hbm4b:s6+s4], $0x80, v6, vm0, $0xb8;
	[tilespmem:$0x19200] =	vst v63  }
0x6d: {  	s20 =	simm.s32 $0x9980  }
0x6e: {  	[tilespmem:s20], [sflag:$0x2] =	stream.indirect_vreg.gather [hbm4b:s7+s4], $0x80, v6, vm0, $0xb8;
	[tilespmem:$0x19200] =	vst v63  }
0x6f: {  	s21 =	simm.s32 $0xA180  }
0x70: {  	[tilespmem:s21], [sflag:$0x2] =	stream.indirect_vreg.gather [hbm4b:s8+s4], $0x80, v6, vm0, $0xb8;
	[tilespmem:$0x19200] =	vst v63  }
0x71: {  	v5 =	vperm.xlane v5, v2;
	s19 =	simm.s32 $0xA980  }
0x72: {  	[tilespmem:s19], [sflag:$0x2] =	stream.indirect_vreg.gather [hbm4b:s9+s4], $0x80, v6, vm0, $0xb8;
	[tilespmem:$0x19200] =	vst v63  }
0x73: {  	v5 =	vadd.s32 v1, v5;
	s20 =	simm.s32 $0xB180  }
0x74: {  	[tilespmem:s20], [sflag:$0x2] =	stream.indirect_vreg.gather [hbm4b:s10+s4], $0x80, v6, vm0, $0xb8;
	[tilespmem:$0x19200] =	vst v63  }
0x75: {  	s21 =	simm.s32 $0xB980  }
0x76: {  	[tilespmem:s21], [sflag:$0x2] =	stream.indirect_vreg.gather [hbm4b:s11+s4], $0x80, v6, vm0, $0xb8;
	[tilespmem:$0x19200] =	vst v63  }
0x77: {  	s19 =	simm.s32 $0xC180  }
0x78: {  	[tilespmem:s19], [sflag:$0x2] =	stream.indirect_vreg.gather [hbm4b:s1+s4], $0x80, v5, vm0, $0xb8;
	[tilespmem:$0x19200] =	vst v63  }
0x79: {  	s20 =	simm.s32 $0xC980  }
0x7a: {  	[tilespmem:s20], [sflag:$0x2] =	stream.indirect_vreg.gather [hbm4b:s5+s4], $0x80, v5, vm0, $0xb8;
	[tilespmem:$0x19200] =	vst v63  }
0x7b: {  	s21 =	simm.s32 $0xD180  }
0x7c: {  	[tilespmem:s21], [sflag:$0x2] =	stream.indirect_vreg.gather [hbm4b:s6+s4], $0x80, v5, vm0, $0xb8;
	[tilespmem:$0x19200] =	vst v63  }
0x7d: {  	s19 =	simm.s32 $0xD980  }
0x7e: {  	[tilespmem:s19], [sflag:$0x2] =	stream.indirect_vreg.gather [hbm4b:s7+s4], $0x80, v5, vm0, $0xb8;
	[tilespmem:$0x19200] =	vst v63  }
0x7f: {  	s20 =	simm.s32 $0xE180  }
0x80: {  	[tilespmem:s20], [sflag:$0x2] =	stream.indirect_vreg.gather [hbm4b:s8+s4], $0x80, v5, vm0, $0xb8;
	[tilespmem:$0x19200] =	vst v63  }
0x81: {  	s21 =	simm.s32 $0xE980  }
0x82: {  	[tilespmem:s21], [sflag:$0x2] =	stream.indirect_vreg.gather [hbm4b:s9+s4], $0x80, v5, vm0, $0xb8;
	[tilespmem:$0x19200] =	vst v63  }
0x83: {  	s19 =	simm.s32 $0xF180  }
0x84: {  	[tilespmem:s19], [sflag:$0x2] =	stream.indirect_vreg.gather [hbm4b:s10+s4], $0x80, v5, vm0, $0xb8;
	[tilespmem:$0x19200] =	vst v63  }
0x85: {  	s20 =	simm.s32 $0xF980  }
0x86: {  	[tilespmem:s20], [sflag:$0x2] =	stream.indirect_vreg.gather [hbm4b:s11+s4], $0x80, v5, vm0, $0xb8;
	[tilespmem:$0x19200] =	vst v63  }
0x87: {  	_ =	swait.ge [sflag:s16], $0x8000  }
0x88: {  	[sflag:s16] =	ssyncset.done $0x0  }
0x89: {  	s21 =	rddreg [dreg:$0x8];
	[sflag:s16] =	ssyncadd.s32 $0xFFFF8000  }
0x8a: {  	[hbm4b:s21+s4] =	stream.linear.scatter [tilespmem:s3], [sflag:$0x4], $0x8000, $0x38;
	[tilespmem:$0x19200] =	vst v63  }
0x8b: {  	s18 =	simm.s32 $0x100;
	s13 =	rddreg [dreg:$0x9]  }
0x8c: {  	[tilespmem:s18], [sflag:$0x7] =	stream.linear.gather [hbm4b:s13+s4], $0x10, $0x38;
	[tilespmem:$0x19200] =	vst v63  }
0x8d: {  	_ =	swait.ge [sflag:s15], $0x10  }
0x8e: {  	[sflag:s15] =	ssyncset.done $0x0  }
0x8f: {  	[sflag:s15] =	ssyncadd.s32 $0xFFFFFFF0  }
0x90: {  	v5 =	vld [tilespmem:$0x100];
	_ =	sdelay $0x4  }
0x91: {  	v6 =	vshll.u32 v5, $0x4  }
0x92: {  	v5 =	vand.u32 $0x7, v5;
	v6 =	vand.u32 $0xFFFFFF80, v6  }
0x93: {  	v5 =	vor.u32 v5, v6  }
0x94: {  	v6 =	vperm.xlane v5, v0;
	_ =	sdelay $0x1  }
0x95: {  	v6 =	vadd.s32 v1, v6;
	_ =	sdelay $0x3  }
0x96: {  	s20 =	simm.s32 $0x10180  }
0x97: {  	[tilespmem:s20], [sflag:$0x3] =	stream.indirect_vreg.gather [hbm4b:s1+s4], $0x80, v6, vm0, $0xb8;
	[tilespmem:$0x19200] =	vst v63  }
0x98: {  	s19 =	simm.s32 $0x10980  }
0x99: {  	[tilespmem:s19], [sflag:$0x3] =	stream.indirect_vreg.gather [hbm4b:s5+s4], $0x80, v6, vm0, $0xb8;
	[tilespmem:$0x19200] =	vst v63  }
0x9a: {  	s21 =	simm.s32 $0x11180  }
0x9b: {  	[tilespmem:s21], [sflag:$0x3] =	stream.indirect_vreg.gather [hbm4b:s6+s4], $0x80, v6, vm0, $0xb8;
	[tilespmem:$0x19200] =	vst v63  }
0x9c: {  	_ = 	snop  }
0x9d: {  	[tilespmem:s22], [sflag:$0x3] =	stream.indirect_vreg.gather [hbm4b:s7+s4], $0x80, v6, vm0, $0xb8;
	[tilespmem:$0x19200] =	vst v63  }
0x9e: {  	_ = 	snop  }
0x9f: {  	[tilespmem:s24], [sflag:$0x3] =	stream.indirect_vreg.gather [hbm4b:s8+s4], $0x80, v6, vm0, $0xb8;
	[tilespmem:$0x19200] =	vst v63  }
0xa0: {  	v5 =	vperm.xlane v5, v2  }
0xa1: {  	[tilespmem:s25], [sflag:$0x3] =	stream.indirect_vreg.gather [hbm4b:s9+s4], $0x80, v6, vm0, $0xb8;
	[tilespmem:$0x19200] =	vst v63  }
0xa2: {  	v5 =	vadd.s32 v1, v5  }
0xa3: {  	[tilespmem:s26], [sflag:$0x3] =	stream.indirect_vreg.gather [hbm4b:s10+s4], $0x80, v6, vm0, $0xb8;
	[tilespmem:$0x19200] =	vst v63  }
0xa4: {  	_ = 	snop  }
0xa5: {  	[tilespmem:s28], [sflag:$0x3] =	stream.indirect_vreg.gather [hbm4b:s11+s4], $0x80, v6, vm0, $0xb8;
	[tilespmem:$0x19200] =	vst v63  }
0xa6: {  	_ = 	snop  }
0xa7: {  	[tilespmem:s29], [sflag:$0x3] =	stream.indirect_vreg.gather [hbm4b:s1+s4], $0x80, v5, vm0, $0xb8;
	[tilespmem:$0x19200] =	vst v63  }
0xa8: {  	_ = 	snop  }
0xa9: {  	[tilespmem:s30], [sflag:$0x3] =	stream.indirect_vreg.gather [hbm4b:s5+s4], $0x80, v5, vm0, $0xb8;
	[tilespmem:$0x19200] =	vst v63  }
0xaa: {  	_ = 	snop  }
0xab: {  	[tilespmem:s23], [sflag:$0x3] =	stream.indirect_vreg.gather [hbm4b:s6+s4], $0x80, v5, vm0, $0xb8;
	[tilespmem:$0x19200] =	vst v63  }
0xac: {  	s18 =	simm.s32 $0x15980  }
0xad: {  	[tilespmem:s18], [sflag:$0x3] =	stream.indirect_vreg.gather [hbm4b:s7+s4], $0x80, v5, vm0, $0xb8;
	[tilespmem:$0x19200] =	vst v63  }
0xae: {  	s21 =	simm.s32 $0x16180  }
0xaf: {  	[tilespmem:s21], [sflag:$0x3] =	stream.indirect_vreg.gather [hbm4b:s8+s4], $0x80, v5, vm0, $0xb8;
	[tilespmem:$0x19200] =	vst v63  }
0xb0: {  	s19 =	simm.s32 $0x16980  }
0xb1: {  	[tilespmem:s19], [sflag:$0x3] =	stream.indirect_vreg.gather [hbm4b:s9+s4], $0x80, v5, vm0, $0xb8;
	[tilespmem:$0x19200] =	vst v63  }
0xb2: {  	s18 =	simm.s32 $0x17180  }
0xb3: {  	[tilespmem:s18], [sflag:$0x3] =	stream.indirect_vreg.gather [hbm4b:s10+s4], $0x80, v5, vm0, $0xb8;
	[tilespmem:$0x19200] =	vst v63  }
0xb4: {  	s19 =	simm.s32 $0x17980  }
0xb5: {  	[tilespmem:s19], [sflag:$0x3] =	stream.indirect_vreg.gather [hbm4b:s11+s4], $0x80, v5, vm0, $0xb8;
	[tilespmem:$0x19200] =	vst v63  }
0xb6: {  	_ =	swait.ge [sflag:s2], $0x8000  }
0xb7: {  	[sflag:s2] =	ssyncset.done $0x0  }
0xb8: {  	s18 =	rddreg [dreg:$0xa];
	[sflag:s2] =	ssyncadd.s32 $0xFFFF8000  }
0xb9: {  	[hbm4b:s18+s4] =	stream.linear.scatter [tilespmem:s0], [sflag:$0x5], $0x8000, $0x38;
	[tilespmem:$0x19200] =	vst v63  }
0xba: {  	_ =	swait.ge [sflag:s14], $0x8000  }
0xbb: {  	[sflag:s14] =	ssyncset.done $0x0  }
0xbc: {  	s13 =	rddreg [dreg:$0xb];
	[sflag:s14] =	ssyncadd.s32 $0xFFFF8000  }
0xbd: {  	[tilespmem:s4], [sflag:$0x7] =	stream.linear.gather [hbm4b:s13+s4], $0x10, $0x38;
	[tilespmem:$0x19200] =	vst v63  }
0xbe: {  	_ =	swait.ge [sflag:s15], $0x10  }
0xbf: {  	[sflag:s15] =	ssyncset.done $0x0  }
0xc0: {  	[sflag:s15] =	ssyncadd.s32 $0xFFFFFFF0  }
0xc1: {  	v5 =	vld [tilespmem:$0x0];
	_ =	sdelay $0x4  }
0xc2: {  	v6 =	vshll.u32 v5, $0x4  }
0xc3: {  	v5 =	vand.u32 $0x7, v5;
	v6 =	vand.u32 $0xFFFFFF80, v6  }
0xc4: {  	v5 =	vor.u32 v5, v6  }
0xc5: {  	v6 =	vperm.xlane v5, v0;
	_ =	sdelay $0x1  }
0xc6: {  	v6 =	vadd.s32 v1, v6;
	_ =	sdelay $0x4  }
0xc7: {  	[tilespmem:s3], [sflag:$0x1] =	stream.indirect_vreg.gather [hbm4b:s1+s4], $0x80, v6, vm0, $0xb8;
	[tilespmem:$0x19200] =	vst v63  }
0xc8: {  	s18 =	simm.s32 $0x980  }
0xc9: {  	[tilespmem:s18], [sflag:$0x1] =	stream.indirect_vreg.gather [hbm4b:s5+s4], $0x80, v6, vm0, $0xb8;
	[tilespmem:$0x19200] =	vst v63  }
0xca: {  	s19 =	simm.s32 $0x1180  }
0xcb: {  	[tilespmem:s19], [sflag:$0x1] =	stream.indirect_vreg.gather [hbm4b:s6+s4], $0x80, v6, vm0, $0xb8;
	[tilespmem:$0x19200] =	vst v63  }
0xcc: {  	s18 =	simm.s32 $0x1980  }
0xcd: {  	[tilespmem:s18], [sflag:$0x1] =	stream.indirect_vreg.gather [hbm4b:s7+s4], $0x80, v6, vm0, $0xb8;
	[tilespmem:$0x19200] =	vst v63  }
0xce: {  	s19 =	simm.s32 $0x2180  }
0xcf: {  	[tilespmem:s19], [sflag:$0x1] =	stream.indirect_vreg.gather [hbm4b:s8+s4], $0x80, v6, vm0, $0xb8;
	[tilespmem:$0x19200] =	vst v63  }
0xd0: {  	v5 =	vperm.xlane v5, v2;
	s18 =	simm.s32 $0x2980  }
0xd1: {  	[tilespmem:s18], [sflag:$0x1] =	stream.indirect_vreg.gather [hbm4b:s9+s4], $0x80, v6, vm0, $0xb8;
	[tilespmem:$0x19200] =	vst v63  }
0xd2: {  	v5 =	vadd.s32 v1, v5;
	s19 =	simm.s32 $0x3180  }
0xd3: {  	[tilespmem:s19], [sflag:$0x1] =	stream.indirect_vreg.gather [hbm4b:s10+s4], $0x80, v6, vm0, $0xb8;
	[tilespmem:$0x19200] =	vst v63  }
0xd4: {  	s18 =	simm.s32 $0x3980  }
0xd5: {  	[tilespmem:s18], [sflag:$0x1] =	stream.indirect_vreg.gather [hbm4b:s11+s4], $0x80, v6, vm0, $0xb8;
	[tilespmem:$0x19200] =	vst v63  }
0xd6: {  	s19 =	simm.s32 $0x4180  }
0xd7: {  	[tilespmem:s19], [sflag:$0x1] =	stream.indirect_vreg.gather [hbm4b:s1+s4], $0x80, v5, vm0, $0xb8;
	[tilespmem:$0x19200] =	vst v63  }
0xd8: {  	s18 =	simm.s32 $0x4980  }
0xd9: {  	[tilespmem:s18], [sflag:$0x1] =	stream.indirect_vreg.gather [hbm4b:s5+s4], $0x80, v5, vm0, $0xb8;
	[tilespmem:$0x19200] =	vst v63  }
0xda: {  	s19 =	simm.s32 $0x5180  }
0xdb: {  	[tilespmem:s19], [sflag:$0x1] =	stream.indirect_vreg.gather [hbm4b:s6+s4], $0x80, v5, vm0, $0xb8;
	[tilespmem:$0x19200] =	vst v63  }
0xdc: {  	s18 =	simm.s32 $0x5980  }
0xdd: {  	[tilespmem:s18], [sflag:$0x1] =	stream.indirect_vreg.gather [hbm4b:s7+s4], $0x80, v5, vm0, $0xb8;
	[tilespmem:$0x19200] =	vst v63  }
0xde: {  	s19 =	simm.s32 $0x6180  }
0xdf: {  	[tilespmem:s19], [sflag:$0x1] =	stream.indirect_vreg.gather [hbm4b:s8+s4], $0x80, v5, vm0, $0xb8;
	[tilespmem:$0x19200] =	vst v63  }
0xe0: {  	s18 =	simm.s32 $0x6980  }
0xe1: {  	[tilespmem:s18], [sflag:$0x1] =	stream.indirect_vreg.gather [hbm4b:s9+s4], $0x80, v5, vm0, $0xb8;
	[tilespmem:$0x19200] =	vst v63  }
0xe2: {  	s19 =	simm.s32 $0x7180  }
0xe3: {  	[tilespmem:s19], [sflag:$0x1] =	stream.indirect_vreg.gather [hbm4b:s10+s4], $0x80, v5, vm0, $0xb8;
	[tilespmem:$0x19200] =	vst v63  }
0xe4: {  	s31 =	simm.s32 $0x7980  }
0xe5: {  	[tilespmem:s31], [sflag:$0x1] =	stream.indirect_vreg.gather [hbm4b:s11+s4], $0x80, v5, vm0, $0xb8;
	[tilespmem:$0x19200] =	vst v63  }
0xe6: {  	s31 =	simm.s32 $0x3  }
0xe7: {  	_ =	swait.ge [sflag:s31], $0x8000  }
0xe8: {  	[sflag:s31] =	ssyncset.done $0x0  }
0xe9: {  	s18 =	rddreg [dreg:$0xc];
	[sflag:s31] =	ssyncadd.s32 $0xFFFF8000  }
0xea: {  	[hbm4b:s18+s4] =	stream.linear.scatter [tilespmem:s20], [sflag:$0x6], $0x8000, $0x38;
	[tilespmem:$0x19200] =	vst v63  }
0xeb: {  	_ =	swait.ge [sflag:s17], $0x8000  }
0xec: {  	[sflag:s17] =	ssyncset.done $0x0  }
0xed: {  	s18 =	simm.s32 $0x80;
	s13 =	rddreg [dreg:$0xd];
	[sflag:s17] =	ssyncadd.s32 $0xFFFF8000  }
0xee: {  	[tilespmem:s18], [sflag:$0x7] =	stream.linear.gather [hbm4b:s13+s4], $0x10, $0x38;
	[tilespmem:$0x19200] =	vst v63  }
0xef: {  	_ =	swait.ge [sflag:s15], $0x10  }
0xf0: {  	[sflag:s15] =	ssyncset.done $0x0  }
0xf1: {  	[sflag:s15] =	ssyncadd.s32 $0xFFFFFFF0  }
0xf2: {  	v5 =	vld [tilespmem:$0x80];
	_ =	sdelay $0x4  }
0xf3: {  	v6 =	vshll.u32 v5, $0x4  }
0xf4: {  	v5 =	vand.u32 $0x7, v5;
	v6 =	vand.u32 $0xFFFFFF80, v6  }
0xf5: {  	v5 =	vor.u32 v5, v6  }
0xf6: {  	v6 =	vperm.xlane v5, v0;
	_ =	sdelay $0x1  }
0xf7: {  	v6 =	vadd.s32 v1, v6;
	_ =	sdelay $0x4  }
0xf8: {  	[tilespmem:s0], [sflag:$0x2] =	stream.indirect_vreg.gather [hbm4b:s1+s4], $0x80, v6, vm0, $0xb8;
	[tilespmem:$0x19200] =	vst v63  }
0xf9: {  	s19 =	simm.s32 $0x8980  }
0xfa: {  	[tilespmem:s19], [sflag:$0x2] =	stream.indirect_vreg.gather [hbm4b:s5+s4], $0x80, v6, vm0, $0xb8;
	[tilespmem:$0x19200] =	vst v63  }
0xfb: {  	s18 =	simm.s32 $0x9180  }
0xfc: {  	[tilespmem:s18], [sflag:$0x2] =	stream.indirect_vreg.gather [hbm4b:s6+s4], $0x80, v6, vm0, $0xb8;
	[tilespmem:$0x19200] =	vst v63  }
0xfd: {  	s19 =	simm.s32 $0x9980  }
0xfe: {  	[tilespmem:s19], [sflag:$0x2] =	stream.indirect_vreg.gather [hbm4b:s7+s4], $0x80, v6, vm0, $0xb8;
	[tilespmem:$0x19200] =	vst v63  }
0xff: {  	s18 =	simm.s32 $0xA180  }
0x100: {  	[tilespmem:s18], [sflag:$0x2] =	stream.indirect_vreg.gather [hbm4b:s8+s4], $0x80, v6, vm0, $0xb8;
	[tilespmem:$0x19200] =	vst v63  }
0x101: {  	v5 =	vperm.xlane v5, v2;
	s19 =	simm.s32 $0xA980  }
0x102: {  	[tilespmem:s19], [sflag:$0x2] =	stream.indirect_vreg.gather [hbm4b:s9+s4], $0x80, v6, vm0, $0xb8;
	[tilespmem:$0x19200] =	vst v63  }
0x103: {  	v5 =	vadd.s32 v1, v5;
	s18 =	simm.s32 $0xB180  }
0x104: {  	[tilespmem:s18], [sflag:$0x2] =	stream.indirect_vreg.gather [hbm4b:s10+s4], $0x80, v6, vm0, $0xb8;
	[tilespmem:$0x19200] =	vst v63  }
0x105: {  	s19 =	simm.s32 $0xB980  }
0x106: {  	[tilespmem:s19], [sflag:$0x2] =	stream.indirect_vreg.gather [hbm4b:s11+s4], $0x80, v6, vm0, $0xb8;
	[tilespmem:$0x19200] =	vst v63  }
0x107: {  	s18 =	simm.s32 $0xC180  }
0x108: {  	[tilespmem:s18], [sflag:$0x2] =	stream.indirect_vreg.gather [hbm4b:s1+s4], $0x80, v5, vm0, $0xb8;
	[tilespmem:$0x19200] =	vst v63  }
0x109: {  	s19 =	simm.s32 $0xC980  }
0x10a: {  	[tilespmem:s19], [sflag:$0x2] =	stream.indirect_vreg.gather [hbm4b:s5+s4], $0x80, v5, vm0, $0xb8;
	[tilespmem:$0x19200] =	vst v63  }
0x10b: {  	s18 =	simm.s32 $0xD180  }
0x10c: {  	[tilespmem:s18], [sflag:$0x2] =	stream.indirect_vreg.gather [hbm4b:s6+s4], $0x80, v5, vm0, $0xb8;
	[tilespmem:$0x19200] =	vst v63  }
0x10d: {  	s19 =	simm.s32 $0xD980  }
0x10e: {  	[tilespmem:s19], [sflag:$0x2] =	stream.indirect_vreg.gather [hbm4b:s7+s4], $0x80, v5, vm0, $0xb8;
	[tilespmem:$0x19200] =	vst v63  }
0x10f: {  	s18 =	simm.s32 $0xE180  }
0x110: {  	[tilespmem:s18], [sflag:$0x2] =	stream.indirect_vreg.gather [hbm4b:s8+s4], $0x80, v5, vm0, $0xb8;
	[tilespmem:$0x19200] =	vst v63  }
0x111: {  	s19 =	simm.s32 $0xE980  }
0x112: {  	[tilespmem:s19], [sflag:$0x2] =	stream.indirect_vreg.gather [hbm4b:s9+s4], $0x80, v5, vm0, $0xb8;
	[tilespmem:$0x19200] =	vst v63  }
0x113: {  	s18 =	simm.s32 $0xF180  }
0x114: {  	[tilespmem:s18], [sflag:$0x2] =	stream.indirect_vreg.gather [hbm4b:s10+s4], $0x80, v5, vm0, $0xb8;
	[tilespmem:$0x19200] =	vst v63  }
0x115: {  	s19 =	simm.s32 $0xF980  }
0x116: {  	[tilespmem:s19], [sflag:$0x2] =	stream.indirect_vreg.gather [hbm4b:s11+s4], $0x80, v5, vm0, $0xb8;
	[tilespmem:$0x19200] =	vst v63  }
0x117: {  	_ =	swait.ge [sflag:s16], $0x8000  }
0x118: {  	[sflag:s16] =	ssyncset.done $0x0  }
0x119: {  	s13 =	rddreg [dreg:$0xe];
	[sflag:s16] =	ssyncadd.s32 $0xFFFF8000  }
0x11a: {  	[hbm4b:s13+s4] =	stream.linear.scatter [tilespmem:s3], [sflag:$0x4], $0x8000, $0x38;
	[tilespmem:$0x19200] =	vst v63  }
0x11b: {  	s13 =	simm.s32 $0x6  }
0x11c: {  	_ =	swait.ge [sflag:s13], $0x8000  }
0x11d: {  	[sflag:s13] =	ssyncset.done $0x0  }
0x11e: {  	s18 =	simm.s32 $0x100;
	s19 =	rddreg [dreg:$0xf];
	[sflag:s13] =	ssyncadd.s32 $0xFFFF8000  }
0x11f: {  	[tilespmem:s18], [sflag:$0x7] =	stream.linear.gather [hbm4b:s19+s4], $0x10, $0x38;
	[tilespmem:$0x19200] =	vst v63  }
0x120: {  	_ =	swait.ge [sflag:s15], $0x10  }
0x121: {  	[sflag:s15] =	ssyncset.done $0x0  }
0x122: {  	[sflag:s15] =	ssyncadd.s32 $0xFFFFFFF0  }
0x123: {  	v5 =	vld [tilespmem:$0x100];
	_ =	sdelay $0x4  }
0x124: {  	v6 =	vshll.u32 v5, $0x4  }
0x125: {  	v5 =	vand.u32 $0x7, v5;
	v6 =	vand.u32 $0xFFFFFF80, v6  }
0x126: {  	v5 =	vor.u32 v5, v6  }
0x127: {  	v6 =	vperm.xlane v5, v0;
	_ =	sdelay $0x1  }
0x128: {  	v6 =	vadd.s32 v1, v6;
	_ =	sdelay $0x4  }
0x129: {  	[tilespmem:s20], [sflag:$0x3] =	stream.indirect_vreg.gather [hbm4b:s1+s4], $0x80, v6, vm0, $0xb8;
	[tilespmem:$0x19200] =	vst v63  }
0x12a: {  	s18 =	simm.s32 $0x10980  }
0x12b: {  	[tilespmem:s18], [sflag:$0x3] =	stream.indirect_vreg.gather [hbm4b:s5+s4], $0x80, v6, vm0, $0xb8;
	[tilespmem:$0x19200] =	vst v63  }
0x12c: {  	s18 =	simm.s32 $0x11180  }
0x12d: {  	[tilespmem:s18], [sflag:$0x3] =	stream.indirect_vreg.gather [hbm4b:s6+s4], $0x80, v6, vm0, $0xb8;
	[tilespmem:$0x19200] =	vst v63  }
0x12e: {  	_ = 	snop  }
0x12f: {  	[tilespmem:s22], [sflag:$0x3] =	stream.indirect_vreg.gather [hbm4b:s7+s4], $0x80, v6, vm0, $0xb8;
	[tilespmem:$0x19200] =	vst v63  }
0x130: {  	_ = 	snop  }
0x131: {  	[tilespmem:s24], [sflag:$0x3] =	stream.indirect_vreg.gather [hbm4b:s8+s4], $0x80, v6, vm0, $0xb8;
	[tilespmem:$0x19200] =	vst v63  }
0x132: {  	v5 =	vperm.xlane v5, v2  }
0x133: {  	[tilespmem:s25], [sflag:$0x3] =	stream.indirect_vreg.gather [hbm4b:s9+s4], $0x80, v6, vm0, $0xb8;
	[tilespmem:$0x19200] =	vst v63  }
0x134: {  	v5 =	vadd.s32 v1, v5  }
0x135: {  	[tilespmem:s26], [sflag:$0x3] =	stream.indirect_vreg.gather [hbm4b:s10+s4], $0x80, v6, vm0, $0xb8;
	[tilespmem:$0x19200] =	vst v63  }
0x136: {  	_ = 	snop  }
0x137: {  	[tilespmem:s28], [sflag:$0x3] =	stream.indirect_vreg.gather [hbm4b:s11+s4], $0x80, v6, vm0, $0xb8;
	[tilespmem:$0x19200] =	vst v63  }
0x138: {  	_ = 	snop  }
0x139: {  	[tilespmem:s29], [sflag:$0x3] =	stream.indirect_vreg.gather [hbm4b:s1+s4], $0x80, v5, vm0, $0xb8;
	[tilespmem:$0x19200] =	vst v63  }
0x13a: {  	_ = 	snop  }
0x13b: {  	[tilespmem:s30], [sflag:$0x3] =	stream.indirect_vreg.gather [hbm4b:s5+s4], $0x80, v5, vm0, $0xb8;
	[tilespmem:$0x19200] =	vst v63  }
0x13c: {  	_ = 	snop  }
0x13d: {  	[tilespmem:s23], [sflag:$0x3] =	stream.indirect_vreg.gather [hbm4b:s6+s4], $0x80, v5, vm0, $0xb8;
	[tilespmem:$0x19200] =	vst v63  }
0x13e: {  	s19 =	simm.s32 $0x15980  }
0x13f: {  	[tilespmem:s19], [sflag:$0x3] =	stream.indirect_vreg.gather [hbm4b:s7+s4], $0x80, v5, vm0, $0xb8;
	[tilespmem:$0x19200] =	vst v63  }
0x140: {  	_ = 	snop  }
0x141: {  	[tilespmem:s21], [sflag:$0x3] =	stream.indirect_vreg.gather [hbm4b:s8+s4], $0x80, v5, vm0, $0xb8;
	[tilespmem:$0x19200] =	vst v63  }
0x142: {  	s19 =	simm.s32 $0x16980  }
0x143: {  	[tilespmem:s19], [sflag:$0x3] =	stream.indirect_vreg.gather [hbm4b:s9+s4], $0x80, v5, vm0, $0xb8;
	[tilespmem:$0x19200] =	vst v63  }
0x144: {  	s21 =	simm.s32 $0x17180  }
0x145: {  	[tilespmem:s21], [sflag:$0x3] =	stream.indirect_vreg.gather [hbm4b:s10+s4], $0x80, v5, vm0, $0xb8;
	[tilespmem:$0x19200] =	vst v63  }
0x146: {  	s19 =	simm.s32 $0x17980  }
0x147: {  	[tilespmem:s19], [sflag:$0x3] =	stream.indirect_vreg.gather [hbm4b:s11+s4], $0x80, v5, vm0, $0xb8;
	[tilespmem:$0x19200] =	vst v63  }
0x148: {  	_ =	swait.ge [sflag:s2], $0x8000  }
0x149: {  	[sflag:s2] =	ssyncset.done $0x0  }
0x14a: {  	s21 =	rddreg [dreg:$0x10];
	[sflag:s2] =	ssyncadd.s32 $0xFFFF8000  }
0x14b: {  	[hbm4b:s21+s4] =	stream.linear.scatter [tilespmem:s0], [sflag:$0x5], $0x8000, $0x38;
	[tilespmem:$0x19200] =	vst v63  }
0x14c: {  	_ =	swait.ge [sflag:s14], $0x8000  }
0x14d: {  	[sflag:s14] =	ssyncset.done $0x0  }
0x14e: {  	s18 =	rddreg [dreg:$0x11];
	[sflag:s14] =	ssyncadd.s32 $0xFFFF8000  }
0x14f: {  	[tilespmem:s4], [sflag:$0x7] =	stream.linear.gather [hbm4b:s18+s4], $0x10, $0x38;
	[tilespmem:$0x19200] =	vst v63  }
0x150: {  	_ =	swait.ge [sflag:s15], $0x10  }
0x151: {  	[sflag:s15] =	ssyncset.done $0x0  }
0x152: {  	[sflag:s15] =	ssyncadd.s32 $0xFFFFFFF0  }
0x153: {  	v5 =	vld [tilespmem:$0x0];
	_ =	sdelay $0x4  }
0x154: {  	v6 =	vshll.u32 v5, $0x4  }
0x155: {  	v5 =	vand.u32 $0x7, v5;
	v6 =	vand.u32 $0xFFFFFF80, v6  }
0x156: {  	v5 =	vor.u32 v5, v6  }
0x157: {  	v6 =	vperm.xlane v5, v0;
	_ =	sdelay $0x1  }
0x158: {  	v6 =	vadd.s32 v1, v6;
	_ =	sdelay $0x4  }
0x159: {  	[tilespmem:s3], [sflag:$0x1] =	stream.indirect_vreg.gather [hbm4b:s1+s4], $0x80, v6, vm0, $0xb8;
	[tilespmem:$0x19200] =	vst v63  }
0x15a: {  	s21 =	simm.s32 $0x980  }
0x15b: {  	[tilespmem:s21], [sflag:$0x1] =	stream.indirect_vreg.gather [hbm4b:s5+s4], $0x80, v6, vm0, $0xb8;
	[tilespmem:$0x19200] =	vst v63  }
0x15c: {  	s19 =	simm.s32 $0x1180  }
0x15d: {  	[tilespmem:s19], [sflag:$0x1] =	stream.indirect_vreg.gather [hbm4b:s6+s4], $0x80, v6, vm0, $0xb8;
	[tilespmem:$0x19200] =	vst v63  }
0x15e: {  	s21 =	simm.s32 $0x1980  }
0x15f: {  	[tilespmem:s21], [sflag:$0x1] =	stream.indirect_vreg.gather [hbm4b:s7+s4], $0x80, v6, vm0, $0xb8;
	[tilespmem:$0x19200] =	vst v63  }
0x160: {  	s19 =	simm.s32 $0x2180  }
0x161: {  	[tilespmem:s19], [sflag:$0x1] =	stream.indirect_vreg.gather [hbm4b:s8+s4], $0x80, v6, vm0, $0xb8;
	[tilespmem:$0x19200] =	vst v63  }
0x162: {  	v5 =	vperm.xlane v5, v2;
	s21 =	simm.s32 $0x2980  }
0x163: {  	[tilespmem:s21], [sflag:$0x1] =	stream.indirect_vreg.gather [hbm4b:s9+s4], $0x80, v6, vm0, $0xb8;
	[tilespmem:$0x19200] =	vst v63  }
0x164: {  	v5 =	vadd.s32 v1, v5;
	s19 =	simm.s32 $0x3180  }
0x165: {  	[tilespmem:s19], [sflag:$0x1] =	stream.indirect_vreg.gather [hbm4b:s10+s4], $0x80, v6, vm0, $0xb8;
	[tilespmem:$0x19200] =	vst v63  }
0x166: {  	s21 =	simm.s32 $0x3980  }
0x167: {  	[tilespmem:s21], [sflag:$0x1] =	stream.indirect_vreg.gather [hbm4b:s11+s4], $0x80, v6, vm0, $0xb8;
	[tilespmem:$0x19200] =	vst v63  }
0x168: {  	s19 =	simm.s32 $0x4180  }
0x169: {  	[tilespmem:s19], [sflag:$0x1] =	stream.indirect_vreg.gather [hbm4b:s1+s4], $0x80, v5, vm0, $0xb8;
	[tilespmem:$0x19200] =	vst v63  }
0x16a: {  	s21 =	simm.s32 $0x4980  }
0x16b: {  	[tilespmem:s21], [sflag:$0x1] =	stream.indirect_vreg.gather [hbm4b:s5+s4], $0x80, v5, vm0, $0xb8;
	[tilespmem:$0x19200] =	vst v63  }
0x16c: {  	s19 =	simm.s32 $0x5180  }
0x16d: {  	[tilespmem:s19], [sflag:$0x1] =	stream.indirect_vreg.gather [hbm4b:s6+s4], $0x80, v5, vm0, $0xb8;
	[tilespmem:$0x19200] =	vst v63  }
0x16e: {  	s21 =	simm.s32 $0x5980  }
0x16f: {  	[tilespmem:s21], [sflag:$0x1] =	stream.indirect_vreg.gather [hbm4b:s7+s4], $0x80, v5, vm0, $0xb8;
	[tilespmem:$0x19200] =	vst v63  }
0x170: {  	s19 =	simm.s32 $0x6180  }
0x171: {  	[tilespmem:s19], [sflag:$0x1] =	stream.indirect_vreg.gather [hbm4b:s8+s4], $0x80, v5, vm0, $0xb8;
	[tilespmem:$0x19200] =	vst v63  }
0x172: {  	s21 =	simm.s32 $0x6980  }
0x173: {  	[tilespmem:s21], [sflag:$0x1] =	stream.indirect_vreg.gather [hbm4b:s9+s4], $0x80, v5, vm0, $0xb8;
	[tilespmem:$0x19200] =	vst v63  }
0x174: {  	s19 =	simm.s32 $0x7180  }
0x175: {  	[tilespmem:s19], [sflag:$0x1] =	stream.indirect_vreg.gather [hbm4b:s10+s4], $0x80, v5, vm0, $0xb8;
	[tilespmem:$0x19200] =	vst v63  }
0x176: {  	s21 =	simm.s32 $0x7980  }
0x177: {  	[tilespmem:s21], [sflag:$0x1] =	stream.indirect_vreg.gather [hbm4b:s11+s4], $0x80, v5, vm0, $0xb8;
	[tilespmem:$0x19200] =	vst v63  }
0x178: {  	_ =	swait.ge [sflag:s31], $0x8000  }
0x179: {  	[sflag:s31] =	ssyncset.done $0x0  }
0x17a: {  	s18 =	rddreg [dreg:$0x12];
	[sflag:s31] =	ssyncadd.s32 $0xFFFF8000  }
0x17b: {  	[hbm4b:s18+s4] =	stream.linear.scatter [tilespmem:s20], [sflag:$0x6], $0x8000, $0x38;
	[tilespmem:$0x19200] =	vst v63  }
0x17c: {  	_ =	swait.ge [sflag:s17], $0x8000  }
0x17d: {  	[sflag:s17] =	ssyncset.done $0x0  }
0x17e: {  	s21 =	simm.s32 $0x80;
	s20 =	rddreg [dreg:$0x13];
	[sflag:s17] =	ssyncadd.s32 $0xFFFF8000  }
0x17f: {  	[tilespmem:s21], [sflag:$0x7] =	stream.linear.gather [hbm4b:s20+s4], $0x10, $0x38;
	[tilespmem:$0x19200] =	vst v63  }
0x180: {  	_ =	swait.ge [sflag:s15], $0x10  }
0x181: {  	[sflag:s15] =	ssyncset.done $0x0  }
0x182: {  	[sflag:s15] =	ssyncadd.s32 $0xFFFFFFF0  }
0x183: {  	v5 =	vld [tilespmem:$0x80];
	_ =	sdelay $0x4  }
0x184: {  	v6 =	vshll.u32 v5, $0x4  }
0x185: {  	v5 =	vand.u32 $0x7, v5;
	v6 =	vand.u32 $0xFFFFFF80, v6  }
0x186: {  	v5 =	vor.u32 v5, v6  }
0x187: {  	v6 =	vperm.xlane v5, v0;
	_ =	sdelay $0x1  }
0x188: {  	v6 =	vadd.s32 v1, v6;
	_ =	sdelay $0x4  }
0x189: {  	[tilespmem:s0], [sflag:$0x2] =	stream.indirect_vreg.gather [hbm4b:s1+s4], $0x80, v6, vm0, $0xb8;
	[tilespmem:$0x19200] =	vst v63  }
0x18a: {  	s31 =	simm.s32 $0x8980  }
0x18b: {  	[tilespmem:s31], [sflag:$0x2] =	stream.indirect_vreg.gather [hbm4b:s5+s4], $0x80, v6, vm0, $0xb8;
	[tilespmem:$0x19200] =	vst v63  }
0x18c: {  	s19 =	simm.s32 $0x9180  }
0x18d: {  	[tilespmem:s19], [sflag:$0x2] =	stream.indirect_vreg.gather [hbm4b:s6+s4], $0x80, v6, vm0, $0xb8;
	[tilespmem:$0x19200] =	vst v63  }
0x18e: {  	s20 =	simm.s32 $0x9980  }
0x18f: {  	[tilespmem:s20], [sflag:$0x2] =	stream.indirect_vreg.gather [hbm4b:s7+s4], $0x80, v6, vm0, $0xb8;
	[tilespmem:$0x19200] =	vst v63  }
0x190: {  	s21 =	simm.s32 $0xA180  }
0x191: {  	[tilespmem:s21], [sflag:$0x2] =	stream.indirect_vreg.gather [hbm4b:s8+s4], $0x80, v6, vm0, $0xb8;
	[tilespmem:$0x19200] =	vst v63  }
0x192: {  	v5 =	vperm.xlane v5, v2;
	s31 =	simm.s32 $0xA980  }
0x193: {  	[tilespmem:s31], [sflag:$0x2] =	stream.indirect_vreg.gather [hbm4b:s9+s4], $0x80, v6, vm0, $0xb8;
	[tilespmem:$0x19200] =	vst v63  }
0x194: {  	v5 =	vadd.s32 v1, v5;
	s19 =	simm.s32 $0xB180  }
0x195: {  	[tilespmem:s19], [sflag:$0x2] =	stream.indirect_vreg.gather [hbm4b:s10+s4], $0x80, v6, vm0, $0xb8;
	[tilespmem:$0x19200] =	vst v63  }
0x196: {  	s20 =	simm.s32 $0xB980  }
0x197: {  	[tilespmem:s20], [sflag:$0x2] =	stream.indirect_vreg.gather [hbm4b:s11+s4], $0x80, v6, vm0, $0xb8;
	[tilespmem:$0x19200] =	vst v63  }
0x198: {  	s21 =	simm.s32 $0xC180  }
0x199: {  	[tilespmem:s21], [sflag:$0x2] =	stream.indirect_vreg.gather [hbm4b:s1+s4], $0x80, v5, vm0, $0xb8;
	[tilespmem:$0x19200] =	vst v63  }
0x19a: {  	s31 =	simm.s32 $0xC980  }
0x19b: {  	[tilespmem:s31], [sflag:$0x2] =	stream.indirect_vreg.gather [hbm4b:s5+s4], $0x80, v5, vm0, $0xb8;
	[tilespmem:$0x19200] =	vst v63  }
0x19c: {  	s19 =	simm.s32 $0xD180  }
0x19d: {  	[tilespmem:s19], [sflag:$0x2] =	stream.indirect_vreg.gather [hbm4b:s6+s4], $0x80, v5, vm0, $0xb8;
	[tilespmem:$0x19200] =	vst v63  }
0x19e: {  	s20 =	simm.s32 $0xD980  }
0x19f: {  	[tilespmem:s20], [sflag:$0x2] =	stream.indirect_vreg.gather [hbm4b:s7+s4], $0x80, v5, vm0, $0xb8;
	[tilespmem:$0x19200] =	vst v63  }
0x1a0: {  	s21 =	simm.s32 $0xE180  }
0x1a1: {  	[tilespmem:s21], [sflag:$0x2] =	stream.indirect_vreg.gather [hbm4b:s8+s4], $0x80, v5, vm0, $0xb8;
	[tilespmem:$0x19200] =	vst v63  }
0x1a2: {  	s31 =	simm.s32 $0xE980  }
0x1a3: {  	[tilespmem:s31], [sflag:$0x2] =	stream.indirect_vreg.gather [hbm4b:s9+s4], $0x80, v5, vm0, $0xb8;
	[tilespmem:$0x19200] =	vst v63  }
0x1a4: {  	s19 =	simm.s32 $0xF180  }
0x1a5: {  	[tilespmem:s19], [sflag:$0x2] =	stream.indirect_vreg.gather [hbm4b:s10+s4], $0x80, v5, vm0, $0xb8;
	[tilespmem:$0x19200] =	vst v63  }
0x1a6: {  	s20 =	simm.s32 $0xF980  }
0x1a7: {  	[tilespmem:s20], [sflag:$0x2] =	stream.indirect_vreg.gather [hbm4b:s11+s4], $0x80, v5, vm0, $0xb8;
	[tilespmem:$0x19200] =	vst v63  }
0x1a8: {  	_ =	swait.ge [sflag:s16], $0x8000  }
0x1a9: {  	[sflag:s16] =	ssyncset.done $0x0  }
0x1aa: {  	s21 =	rddreg [dreg:$0x14];
	[sflag:s16] =	ssyncadd.s32 $0xFFFF8000  }
0x1ab: {  	[hbm4b:s21+s4] =	stream.linear.scatter [tilespmem:s3], [sflag:$0x4], $0x8000, $0x38;
	[tilespmem:$0x19200] =	vst v63  }
0x1ac: {  	_ =	swait.ge [sflag:s2], $0x8000  }
0x1ad: {  	[sflag:s2] =	ssyncset.done $0x0  }
0x1ae: {  	s31 =	rddreg [dreg:$0x15];
	[sflag:s2] =	ssyncadd.s32 $0xFFFF8000  }
0x1af: {  	[hbm4b:s31+s4] =	stream.linear.scatter [tilespmem:s0], [sflag:$0x5], $0x8000, $0x38;
	[tilespmem:$0x19200] =	vst v63  }
0x1b0: {  	_ =	swait.ge [sflag:s14], $0x8000  }
0x1b1: {  	[sflag:s14] =	ssyncset.done $0x0  }
0x1b2: {  	[sflag:s14] =	ssyncadd.s32 $0xFFFF8000  }
0x1b3: {  	_ =	swait.ge [sflag:s17], $0x8000  }
0x1b4: {  	[sflag:s17] =	ssyncset.done $0x0  }
0x1b5: {  	[sflag:s17] =	ssyncadd.s32 $0xFFFF8000  }
0x1b6: {  	_ =	swait.ge [sflag:s13], $0x8000  }
0x1b7: {  	[sflag:s13] =	ssyncset.done $0x0  }
0x1b8: {  	[sflag:s13] =	ssyncadd.s32 $0xFFFF8000  }
0x1b9: {  	v5 =	vld.msk [tilespmem:$0x19180], $0x3;
	_ =	sdelay $0x4  }
0x1ba: {  	v6 =	vshll.u32 v5, $0x4  }
0x1bb: {  	v5 =	vand.u32 $0x7, v5;
	v6 =	vand.u32 $0xFFFFFF80, v6  }
0x1bc: {  	v5 =	vor.u32 v5, v6  }
0x1bd: {  	v5 =	vperm.xlane v5, v3;
	_ =	sdelay $0x1  }
0x1be: {  	v5 =	vadd.s32 v4, v5;
	_ =	sdelay $0x2  }
0x1bf: {  	s3 =	rddreg [dreg:$0x16]  }
0x1c0: {  	p0 =	sne.s32 s12, $0x1;
	s31 =	simm.s32 $0x18180;
	s18 =	rddreg [dreg:$0x2]  }
0x1c1: {  	[hbm4b:s18+s4] =	stream.indirect_vreg.scatter [tilespmem:s31], [sflag:$0x7], $0x80, v5, vm0, $0xb8;
	[tilespmem:$0x19200] =	vst v63  }
.Ltmp0:
0x1c2: {  	s13 =	rddreg [dreg:$0x19];
	(pc) =	sbr.rel @p0 .LBB2_1-.Ltmp0, $4  }
0x1c3: {  	[hbm4b:s3+s4] =	stream.indirect_vreg.scatter [tilespmem:s13], [sflag:$0x7], $0x80, v5, vm0, $0xb8;
	[tilespmem:$0x19200] =	vst v63  }
0x1c4: {  	_ =	swait.ge [sflag:s15], $0x1000  }
0x1c5: {  	[sflag:s15] =	ssyncset.done $0x0  }
0x1c6: {  	s12 =	sadd.s32 $0xFFFFFFFF, s12;
	[sflag:s15] =	ssyncadd.s32 $0xFFFFF000  }
0x1c7: {  	_ =	sfence.sel $0x180000  }
0x1c8: {  	[bflag:$0x0] =	sbarrier.arrive $0xFFFF  }
0x1c9: {  	_ =	strace $0x90000047  }
0x1ca: {  	s0 =	stileid.u32;
	[bflag:$0x2] =	sbarrier.arrive $0xFFFF  }
0x1cb: {  	p0 =	sne.s32 s0, $0x0;
	s0 =	rddreg [dreg:$0x3]  }
0x1cc: {  	s0 =	sadd.s32 @!p0 $0x100000, s0  }
0x1cd: {  	[sflag:s0] =	ssyncadd.tile.s32 @!p0 $0x1;
	_ =	shalt  }
.Lfunc_end2:
_tile_overlayer_lowered:
.L_overlay_start_2:
0x1ce: {  	(tag) =	ssettag $0x2  }
0x1cf: {  	s0 =	rddreg [dreg:$0x0];
	s2 =	stileid.u32  }
0x1d0: {  	s1 =	rddreg [dreg:$0x1];
	p0 =	sne.s32 s2, $0x0  }
0x1d1: {  	s3 =	rddreg [dreg:$0x2];
	[bflag:$0x3] =	sbarrier.arrive $0xFFFF;
	s2 =	simm.s32 @!p0 $0x1C07  }
0x1d2: {  	[timem:s3], [sflag:s2] =	dma.local @!p0 [hbm:s0], s1  }
0x1d3: {  	s0 =	simm.s32 @!p0 $0x7  }
0x1d4: {  	_ =	swait.ge @!p0 [sflag:s0], s1  }
0x1d5: {  	s1 =	ssub.s32 @!p0 $0x0, s1;
	[sflag:s0] =	ssyncset.done @!p0 $0x0  }
0x1d6: {  	[sflag:s0] =	ssyncadd.s32 @!p0 s1  }
0x1d7: {  	[bflag:$0x3] =	sbarrier.arrive $0xFFFF  }
0x1d8: {  	_ =	shalt  }

</sc_bundles>
